<compile_context>
chip_gen: v7x
topology: tpu7x:2x2x1
jax: 0.10.2.dev20260603
libtpu: 0.0.44.dev20260713+nightly
codegen_flags: <defaults>
</compile_context>

<pallas_src>
import jax
import jax.numpy as jnp
from jax import lax
from jax.experimental import pallas as pl
from jax.experimental.pallas import tpu as pltpu
from jax.experimental.pallas import tpu_sc as plsc

B = 16384
F = 100
D = 32
G = 20
S = 5
L = 16

NC = 2
NS = 16
NW = NC * NS

W = 256
NSTRIPE = B // W
NUNIT = NSTRIPE * G // NW
IR = S * D
OR = D


def _body(in_hbm, out_hbm, iv0, iv1, ov0, ov1, si0, si1, so0, so1):
    wid = lax.axis_index("s") * NC + lax.axis_index("c")
    in_bufs = (iv0, iv1)
    out_bufs = (ov0, ov1)
    in_sems = (si0, si1)
    out_sems = (so0, so1)

    def unit_addr(u):
        ug = wid * NUNIT + u
        stripe = ug // G
        g = ug % G
        return g, stripe * W

    def start_in(u, b):
        g, col = unit_addr(u)
        pltpu.make_async_copy(
            in_hbm.at[pl.ds(IR * g, IR), pl.ds(col, W)], in_bufs[b], in_sems[b]
        ).start()

    def wait_in(b):
        pltpu.make_async_copy(
            in_hbm.at[pl.ds(0, IR), pl.ds(0, W)], in_bufs[b], in_sems[b]
        ).wait()

    def start_out(u, b):
        g, col = unit_addr(u)
        pltpu.make_async_copy(
            out_bufs[b], out_hbm.at[pl.ds(OR * g, OR), pl.ds(col, W)], out_sems[b]
        ).start()

    def wait_out(b):
        pltpu.make_async_copy(
            out_bufs[b], out_hbm.at[pl.ds(0, OR), pl.ds(0, W)], out_sems[b]
        ).wait()

    def compute(b):
        in_v = in_bufs[b]
        out_v = out_bufs[b]

        def row_body(d, carry):
            for v in range(W // L):
                acc = in_v[d, pl.ds(v * L, L)]
                for j in range(1, S):
                    acc = acc + in_v[j * D + d, pl.ds(v * L, L)]
                out_v[d, pl.ds(v * L, L)] = acc * (1.0 / S)
            return carry

        lax.fori_loop(0, OR, row_body, 0)

    start_in(0, 0)
    start_in(1, 1)

    def loop_body(i, carry):
        for b in range(2):
            u = 2 * i + b
            wait_in(b)

            @pl.when(u >= 2)
            def _():
                wait_out(b)

            compute(b)
            start_out(u, b)

            @pl.when(u + 2 < NUNIT)
            def _():
                start_in(u + 2, b)

        return carry

    lax.fori_loop(0, NUNIT // 2, loop_body, 0)
    wait_out(0)
    wait_out(1)


@jax.jit
def kernel(emb_vector):
    x_t = jnp.transpose(emb_vector, (1, 2, 0)).reshape(F * D, B)
    mesh = plsc.VectorSubcoreMesh(core_axis_name="c", subcore_axis_name="s")
    out_t = pl.kernel(
        _body,
        out_type=jax.ShapeDtypeStruct((G * D, B), jnp.float32),
        mesh=mesh,
        compiler_params=pltpu.CompilerParams(use_tc_tiling_on_sc=True),
        scratch_types=[
            pltpu.VMEM((IR, W), jnp.float32),
            pltpu.VMEM((IR, W), jnp.float32),
            pltpu.VMEM((OR, W), jnp.float32),
            pltpu.VMEM((OR, W), jnp.float32),
            pltpu.SemaphoreType.DMA,
            pltpu.SemaphoreType.DMA,
            pltpu.SemaphoreType.DMA,
            pltpu.SemaphoreType.DMA,
        ],
    )(x_t)
    return jnp.transpose(out_t.reshape(G, D, B), (2, 0, 1))

# --- scband reference (transcript-rebuilt; emitter-appended) ---
"""Pipeline reference for scband-base-embedding-51582557225399 (READ-ONLY COPY).

The authoritative reference and input builder live on the scoring server;
editing this copy changes nothing except your own understanding.
"""

import jax, jax.numpy as jnp
import numpy as np

POOL_INDICES = [5] * 20


def setup_inputs(seed: int = 0) -> dict:
    key = jax.random.key(seed)
    emb_vector = jax.random.normal(key, (16384, 100, 32), dtype=jnp.float32)
    return {"emb_vector": emb_vector}


def reference(emb_vector):
    # mean_pooling: sum_pooling followed by division by group sizes.
    sizes = np.asarray(POOL_INDICES, dtype=np.int32)
    num_segments = len(POOL_INDICES)
    # ind = torch.arange(len(sizes)).repeat_interleave(sizes)
    ind = jnp.asarray(np.repeat(np.arange(num_segments), sizes), dtype=jnp.int32)
    # torch index_add_ along dim=1 == segment_sum over the field axis.
    # Move field axis to front: [F, B, D]
    ev = jnp.transpose(emb_vector, (1, 0, 2))
    summed = jax.ops.segment_sum(ev, ind, num_segments=num_segments)  # [G, B, D]
    sum_pooled = jnp.transpose(summed, (1, 0, 2))  # [B, G, D]
    sizes_b = jnp.asarray(sizes, dtype=jnp.float32).reshape(1, -1, 1)
    mean_pooled = sum_pooled / sizes_b
    return mean_pooled

if __name__ == "__main__":
    import jax
    _d = setup_inputs()
    print(jax.jit(kernel)(*tuple(_d.values())))

</pallas_src>

<mosaic_0001>
#map = affine_map<(d0, d1) -> (0, 0)>
module attributes {stable_mosaic.version = 14 : i64} {
  func.func @_body(%arg0: i32, %arg1: i32, %arg2: memref<3200x16384xf32, #tpu.memory_space<hbm>>, %arg3: memref<640x16384xf32, #tpu.memory_space<hbm>>, %arg4: memref<160x256xf32, #tpu.memory_space<vmem>>, %arg5: memref<160x256xf32, #tpu.memory_space<vmem>>, %arg6: memref<32x256xf32, #tpu.memory_space<vmem>>, %arg7: memref<32x256xf32, #tpu.memory_space<vmem>>, %arg8: memref<!tpu.dma_semaphore, #tpu.memory_space<semaphore_mem>>, %arg9: memref<!tpu.dma_semaphore, #tpu.memory_space<semaphore_mem>>, %arg10: memref<!tpu.dma_semaphore, #tpu.memory_space<semaphore_mem>>, %arg11: memref<!tpu.dma_semaphore, #tpu.memory_space<semaphore_mem>>) attributes {dimension_semantics = [#tpu.dimension_semantics<core_parallel>, #tpu.dimension_semantics<subcore_parallel>], iteration_bounds = array<i64: 2, 16>, scalar_prefetch = 0 : i64, scratch_operands = 8 : i64, tpu.core_type = #tpu.core_type<sc_vector_subcore>, window_params = [{transform_indices = #map}, {transform_indices = #map}]} {
    %mul3A = arith.constant 2 : i32
    %mul3A_0 = arith.muli %arg1, %mul3A : i32
    %add3A = arith.addi %mul3A_0, %arg0 : i32
    %mul3A_1 = arith.constant 40 : i32
    %mul3A_2 = arith.muli %add3A, %mul3A_1 : i32
    %add3A_3 = arith.constant 0 : i32
    %add3A_4 = arith.addi %mul3A_2, %add3A_3 : i32
    %jit3A = arith.constant 20 : i32
    %div3A = arith.divsi %add3A_4, %jit3A : i32
    %sign3A = arith.constant 0 : i32
    %sign3A_5 = arith.cmpi sgt, %add3A_4, %sign3A : i32
    %sign3A_6 = arith.extui %sign3A_5 : i1 to i32
    %sign3A_7 = arith.constant 0 : i32
    %sign3A_8 = arith.cmpi slt, %add3A_4, %sign3A_7 : i32
    %sign3A_9 = arith.extui %sign3A_8 : i1 to i32
    %sign3A_10 = arith.subi %sign3A_6, %sign3A_9 : i32
    %sign3A_11 = arith.constant 0 : i32
    %sign3A_12 = arith.cmpi sgt, %jit3A, %sign3A_11 : i32
    %sign3A_13 = arith.extui %sign3A_12 : i1 to i32
    %sign3A_14 = arith.constant 0 : i32
    %sign3A_15 = arith.cmpi slt, %jit3A, %sign3A_14 : i32
    %sign3A_16 = arith.extui %sign3A_15 : i1 to i32
    %sign3A_17 = arith.subi %sign3A_13, %sign3A_16 : i32
    %ne3A = arith.cmpi ne, %sign3A_10, %sign3A_17 : i32
    %rem3A = arith.remsi %add3A_4, %jit3A : i32
    %ne3A_18 = arith.constant 0 : i32
    %ne3A_19 = arith.cmpi ne, %rem3A, %ne3A_18 : i32
    %and3A = arith.andi %ne3A, %ne3A_19 : i1
    %sub3A = arith.constant 1 : i32
    %sub3A_20 = arith.subi %div3A, %sub3A : i32
    %select_n3A = arith.select %and3A, %sub3A_20, %div3A : i32
    %jit3A_21 = arith.constant 20 : i32
    %eq3A = arith.constant 0 : i32
    %eq3A_22 = arith.cmpi eq, %jit3A_21, %eq3A : i32
    %jit3A_23 = arith.constant 1 : i32
    %select_n3A_24 = arith.select %eq3A_22, %jit3A_23, %jit3A_21 : i32
    %rem3A_25 = arith.remsi %add3A_4, %select_n3A_24 : i32
    %ne3A_26 = arith.constant 0 : i32
    %ne3A_27 = arith.cmpi ne, %rem3A_25, %ne3A_26 : i32
    %lt3A = arith.constant 0 : i32
    %lt3A_28 = arith.cmpi slt, %rem3A_25, %lt3A : i32
    %lt3A_29 = arith.constant 0 : i32
    %lt3A_30 = arith.cmpi slt, %select_n3A_24, %lt3A_29 : i32
    %ne3A_31 = arith.xori %lt3A_28, %lt3A_30 : i1
    %and3A_32 = arith.andi %ne3A_31, %ne3A_27 : i1
    %add3A_33 = arith.addi %rem3A_25, %select_n3A_24 : i32
    %select_n3A_34 = arith.select %and3A_32, %add3A_33, %rem3A_25 : i32
    %mul3A_35 = arith.constant 256 : i32
    %mul3A_36 = arith.muli %select_n3A, %mul3A_35 : i32
    %mul3A_37 = arith.constant 160 : i32
    %mul3A_38 = arith.muli %mul3A_37, %select_n3A_34 : i32
    %dma_start3A = tpu.memref_slice %arg2[%mul3A_38, %mul3A_36] : memref<3200x16384xf32, #tpu.memory_space<hbm>> -> memref<160x256xf32, #tpu.memory_space<hbm>>
    %dma_start3A_39 = tpu.memref_slice %arg2[%mul3A_38, %mul3A_36] : memref<3200x16384xf32, #tpu.memory_space<hbm>> -> memref<160x256xf32, #tpu.memory_space<hbm>>
    tpu.enqueue_dma source(%dma_start3A_39 : memref<160x256xf32, #tpu.memory_space<hbm>>) target(%arg4 : memref<160x256xf32, #tpu.memory_space<vmem>>) target_semaphore(%arg8 : memref<!tpu.dma_semaphore, #tpu.memory_space<semaphore_mem>>)
    %mul3A_40 = arith.constant 40 : i32
    %mul3A_41 = arith.muli %add3A, %mul3A_40 : i32
    %add3A_42 = arith.constant 1 : i32
    %add3A_43 = arith.addi %mul3A_41, %add3A_42 : i32
    %jit3A_44 = arith.constant 20 : i32
    %div3A_45 = arith.divsi %add3A_43, %jit3A_44 : i32
    %sign3A_46 = arith.constant 0 : i32
    %sign3A_47 = arith.cmpi sgt, %add3A_43, %sign3A_46 : i32
    %sign3A_48 = arith.extui %sign3A_47 : i1 to i32
    %sign3A_49 = arith.constant 0 : i32
    %sign3A_50 = arith.cmpi slt, %add3A_43, %sign3A_49 : i32
    %sign3A_51 = arith.extui %sign3A_50 : i1 to i32
    %sign3A_52 = arith.subi %sign3A_48, %sign3A_51 : i32
    %sign3A_53 = arith.constant 0 : i32
    %sign3A_54 = arith.cmpi sgt, %jit3A_44, %sign3A_53 : i32
    %sign3A_55 = arith.extui %sign3A_54 : i1 to i32
    %sign3A_56 = arith.constant 0 : i32
    %sign3A_57 = arith.cmpi slt, %jit3A_44, %sign3A_56 : i32
    %sign3A_58 = arith.extui %sign3A_57 : i1 to i32
    %sign3A_59 = arith.subi %sign3A_55, %sign3A_58 : i32
    %ne3A_60 = arith.cmpi ne, %sign3A_52, %sign3A_59 : i32
    %rem3A_61 = arith.remsi %add3A_43, %jit3A_44 : i32
    %ne3A_62 = arith.constant 0 : i32
    %ne3A_63 = arith.cmpi ne, %rem3A_61, %ne3A_62 : i32
    %and3A_64 = arith.andi %ne3A_60, %ne3A_63 : i1
    %sub3A_65 = arith.constant 1 : i32
    %sub3A_66 = arith.subi %div3A_45, %sub3A_65 : i32
    %select_n3A_67 = arith.select %and3A_64, %sub3A_66, %div3A_45 : i32
    %jit3A_68 = arith.constant 20 : i32
    %eq3A_69 = arith.constant 0 : i32
    %eq3A_70 = arith.cmpi eq, %jit3A_68, %eq3A_69 : i32
    %jit3A_71 = arith.constant 1 : i32
    %select_n3A_72 = arith.select %eq3A_70, %jit3A_71, %jit3A_68 : i32
    %rem3A_73 = arith.remsi %add3A_43, %select_n3A_72 : i32
    %ne3A_74 = arith.constant 0 : i32
    %ne3A_75 = arith.cmpi ne, %rem3A_73, %ne3A_74 : i32
    %lt3A_76 = arith.constant 0 : i32
    %lt3A_77 = arith.cmpi slt, %rem3A_73, %lt3A_76 : i32
    %lt3A_78 = arith.constant 0 : i32
    %lt3A_79 = arith.cmpi slt, %select_n3A_72, %lt3A_78 : i32
    %ne3A_80 = arith.xori %lt3A_77, %lt3A_79 : i1
    %and3A_81 = arith.andi %ne3A_80, %ne3A_75 : i1
    %add3A_82 = arith.addi %rem3A_73, %select_n3A_72 : i32
    %select_n3A_83 = arith.select %and3A_81, %add3A_82, %rem3A_73 : i32
    %mul3A_84 = arith.constant 256 : i32
    %mul3A_85 = arith.muli %select_n3A_67, %mul3A_84 : i32
    %mul3A_86 = arith.constant 160 : i32
    %mul3A_87 = arith.muli %mul3A_86, %select_n3A_83 : i32
    %dma_start3A_88 = tpu.memref_slice %arg2[%mul3A_87, %mul3A_85] : memref<3200x16384xf32, #tpu.memory_space<hbm>> -> memref<160x256xf32, #tpu.memory_space<hbm>>
    %dma_start3A_89 = tpu.memref_slice %arg2[%mul3A_87, %mul3A_85] : memref<3200x16384xf32, #tpu.memory_space<hbm>> -> memref<160x256xf32, #tpu.memory_space<hbm>>
    tpu.enqueue_dma source(%dma_start3A_89 : memref<160x256xf32, #tpu.memory_space<hbm>>) target(%arg5 : memref<160x256xf32, #tpu.memory_space<vmem>>) target_semaphore(%arg9 : memref<!tpu.dma_semaphore, #tpu.memory_space<semaphore_mem>>)
    %scan3A = arith.constant 0 : i32
    %scan3A_90 = arith.constant 0 : i32
    %scan3A_91 = arith.constant 20 : i32
    %scan3A_92 = arith.addi %scan3A_90, %scan3A_91 : i32
    %scan3A_93 = arith.constant 1 : i32
    scf.for %scan3A_106 = %scan3A_90 to %scan3A_92 step %scan3A_93  : i32 {
      %mul3A_107 = arith.constant 2 : i32
      %mul3A_108 = arith.muli %mul3A_107, %scan3A_106 : i32
      %add3A_109 = arith.constant 0 : i32
      %add3A_110 = arith.addi %mul3A_108, %add3A_109 : i32
      %dma_wait3A_111 = arith.constant 0 : i32
      %dma_wait3A_112 = arith.constant 0 : i32
      %dma_wait3A_113 = tpu.memref_slice %arg2[%dma_wait3A_111, %dma_wait3A_112] : memref<3200x16384xf32, #tpu.memory_space<hbm>> -> memref<160x256xf32, #tpu.memory_space<hbm>>
      %dma_wait3A_114 = arith.constant 0 : i32
      %dma_wait3A_115 = arith.constant 0 : i32
      %dma_wait3A_116 = tpu.memref_slice %arg2[%dma_wait3A_114, %dma_wait3A_115] : memref<3200x16384xf32, #tpu.memory_space<hbm>> -> memref<160x256xf32, #tpu.memory_space<hbm>>
      tpu.wait_dma2 semaphore(%arg8 : memref<!tpu.dma_semaphore, #tpu.memory_space<semaphore_mem>>) src(%dma_wait3A_116 : memref<160x256xf32, #tpu.memory_space<hbm>>) dst(%arg4 : memref<160x256xf32, #tpu.memory_space<vmem>>)
      %ge3A = arith.constant 2 : i32
      %ge3A_117 = arith.cmpi sge, %add3A_110, %ge3A : i32
      %convert_element_type3A = arith.extui %ge3A_117 : i1 to i32
      %cond3A = arith.constant 0 : i32
      %cond3A_118 = arith.cmpi ne, %convert_element_type3A, %cond3A : i32
      scf.if %cond3A_118 {
        %dma_wait3A_258 = arith.constant 0 : i32
        %dma_wait3A_259 = arith.constant 0 : i32
        %dma_wait3A_260 = tpu.memref_slice %arg3[%dma_wait3A_258, %dma_wait3A_259] : memref<640x16384xf32, #tpu.memory_space<hbm>> -> memref<32x256xf32, #tpu.memory_space<hbm>>
        %dma_wait3A_261 = arith.constant 0 : i32
        %dma_wait3A_262 = arith.constant 0 : i32
        %dma_wait3A_263 = tpu.memref_slice %arg3[%dma_wait3A_261, %dma_wait3A_262] : memref<640x16384xf32, #tpu.memory_space<hbm>> -> memref<32x256xf32, #tpu.memory_space<hbm>>
        tpu.wait_dma2 semaphore(%arg10 : memref<!tpu.dma_semaphore, #tpu.memory_space<semaphore_mem>>) src(%arg6 : memref<32x256xf32, #tpu.memory_space<vmem>>) dst(%dma_wait3A_263 : memref<32x256xf32, #tpu.memory_space<hbm>>)
      } else {
      }
      %scan3A_119 = arith.constant 0 : i32
      %scan3A_120 = arith.constant 0 : i32
      %scan3A_121 = arith.constant 32 : i32
      %scan3A_122 = arith.addi %scan3A_120, %scan3A_121 : i32
      %scan3A_123 = arith.constant 1 : i32
      scf.for %scan3A_258 = %scan3A_120 to %scan3A_122 step %scan3A_123  : i32 {
        %get3A = arith.index_cast %scan3A_258 : i32 to index
        %get3A_259 = arith.constant 0 : index
        %get3A_260 = tpu.vector_load %arg4[%get3A, %get3A_259] {strides = array<i32>} : memref<160x256xf32, #tpu.memory_space<vmem>>, vector<1x16xf32>,
        %get3A_261 = vector.shape_cast %get3A_260 : vector<1x16xf32> to vector<16xf32>
        %add3A_262 = arith.constant 32 : i32
        %add3A_263 = arith.addi %add3A_262, %scan3A_258 : i32
        %get3A_264 = arith.index_cast %add3A_263 : i32 to index
        %get3A_265 = arith.constant 0 : index
        %get3A_266 = tpu.vector_load %arg4[%get3A_264, %get3A_265] {strides = array<i32>} : memref<160x256xf32, #tpu.memory_space<vmem>>, vector<1x16xf32>,
        %get3A_267 = vector.shape_cast %get3A_266 : vector<1x16xf32> to vector<16xf32>
        %add3A_268 = arith.addf %get3A_261, %get3A_267 : vector<16xf32>
        %add3A_269 = arith.constant 64 : i32
        %add3A_270 = arith.addi %add3A_269, %scan3A_258 : i32
        %get3A_271 = arith.index_cast %add3A_270 : i32 to index
        %get3A_272 = arith.constant 0 : index
        %get3A_273 = tpu.vector_load %arg4[%get3A_271, %get3A_272] {strides = array<i32>} : memref<160x256xf32, #tpu.memory_space<vmem>>, vector<1x16xf32>,
        %get3A_274 = vector.shape_cast %get3A_273 : vector<1x16xf32> to vector<16xf32>
        %add3A_275 = arith.addf %add3A_268, %get3A_274 : vector<16xf32>
        %add3A_276 = arith.constant 96 : i32
        %add3A_277 = arith.addi %add3A_276, %scan3A_258 : i32
        %get3A_278 = arith.index_cast %add3A_277 : i32 to index
        %get3A_279 = arith.constant 0 : index
        %get3A_280 = tpu.vector_load %arg4[%get3A_278, %get3A_279] {strides = array<i32>} : memref<160x256xf32, #tpu.memory_space<vmem>>, vector<1x16xf32>,
        %get3A_281 = vector.shape_cast %get3A_280 : vector<1x16xf32> to vector<16xf32>
        %add3A_282 = arith.addf %add3A_275, %get3A_281 : vector<16xf32>
        %add3A_283 = arith.constant 128 : i32
        %add3A_284 = arith.addi %add3A_283, %scan3A_258 : i32
        %get3A_285 = arith.index_cast %add3A_284 : i32 to index
        %get3A_286 = arith.constant 0 : index
        %get3A_287 = tpu.vector_load %arg4[%get3A_285, %get3A_286] {strides = array<i32>} : memref<160x256xf32, #tpu.memory_space<vmem>>, vector<1x16xf32>,
        %get3A_288 = vector.shape_cast %get3A_287 : vector<1x16xf32> to vector<16xf32>
        %add3A_289 = arith.addf %add3A_282, %get3A_288 : vector<16xf32>
        %mul3A_290 = arith.constant 2.000000e-01 : f32
        %mul3A_291 = vector.broadcast %mul3A_290 : f32 to vector<16xf32>
        %mul3A_292 = arith.mulf %add3A_289, %mul3A_291 : vector<16xf32>
        %swap3A = arith.index_cast %scan3A_258 : i32 to index
        %swap3A_293 = arith.constant 0 : index
        %swap3A_294 = tpu.vector_load %arg6[%swap3A, %swap3A_293] {strides = array<i32>} : memref<32x256xf32, #tpu.memory_space<vmem>>, vector<1x16xf32>,
        %swap3A_295 = vector.shape_cast %swap3A_294 : vector<1x16xf32> to vector<16xf32>
        %swap3A_296 = vector.shape_cast %mul3A_292 : vector<16xf32> to vector<1x16xf32>
        tpu.vector_store %arg6[%swap3A, %swap3A_293], %swap3A_296 {strides = array<i32>} : memref<32x256xf32, #tpu.memory_space<vmem>>, vector<1x16xf32>,
        %get3A_297 = arith.index_cast %scan3A_258 : i32 to index
        %get3A_298 = arith.constant 16 : index
        %get3A_299 = tpu.vector_load %arg4[%get3A_297, %get3A_298] {strides = array<i32>} : memref<160x256xf32, #tpu.memory_space<vmem>>, vector<1x16xf32>,
        %get3A_300 = vector.shape_cast %get3A_299 : vector<1x16xf32> to vector<16xf32>
        %add3A_301 = arith.constant 32 : i32
        %add3A_302 = arith.addi %add3A_301, %scan3A_258 : i32
        %get3A_303 = arith.index_cast %add3A_302 : i32 to index
        %get3A_304 = arith.constant 16 : index
        %get3A_305 = tpu.vector_load %arg4[%get3A_303, %get3A_304] {strides = array<i32>} : memref<160x256xf32, #tpu.memory_space<vmem>>, vector<1x16xf32>,
        %get3A_306 = vector.shape_cast %get3A_305 : vector<1x16xf32> to vector<16xf32>
        %add3A_307 = arith.addf %get3A_300, %get3A_306 : vector<16xf32>
        %add3A_308 = arith.constant 64 : i32
        %add3A_309 = arith.addi %add3A_308, %scan3A_258 : i32
        %get3A_310 = arith.index_cast %add3A_309 : i32 to index
        %get3A_311 = arith.constant 16 : index
        %get3A_312 = tpu.vector_load %arg4[%get3A_310, %get3A_311] {strides = array<i32>} : memref<160x256xf32, #tpu.memory_space<vmem>>, vector<1x16xf32>,
        %get3A_313 = vector.shape_cast %get3A_312 : vector<1x16xf32> to vector<16xf32>
        %add3A_314 = arith.addf %add3A_307, %get3A_313 : vector<16xf32>
        %add3A_315 = arith.constant 96 : i32
        %add3A_316 = arith.addi %add3A_315, %scan3A_258 : i32
        %get3A_317 = arith.index_cast %add3A_316 : i32 to index
        %get3A_318 = arith.constant 16 : index
        %get3A_319 = tpu.vector_load %arg4[%get3A_317, %get3A_318] {strides = array<i32>} : memref<160x256xf32, #tpu.memory_space<vmem>>, vector<1x16xf32>,
        %get3A_320 = vector.shape_cast %get3A_319 : vector<1x16xf32> to vector<16xf32>
        %add3A_321 = arith.addf %add3A_314, %get3A_320 : vector<16xf32>
        %add3A_322 = arith.constant 128 : i32
        %add3A_323 = arith.addi %add3A_322, %scan3A_258 : i32
        %get3A_324 = arith.index_cast %add3A_323 : i32 to index
        %get3A_325 = arith.constant 16 : index
        %get3A_326 = tpu.vector_load %arg4[%get3A_324, %get3A_325] {strides = array<i32>} : memref<160x256xf32, #tpu.memory_space<vmem>>, vector<1x16xf32>,
        %get3A_327 = vector.shape_cast %get3A_326 : vector<1x16xf32> to vector<16xf32>
        %add3A_328 = arith.addf %add3A_321, %get3A_327 : vector<16xf32>
        %mul3A_329 = arith.constant 2.000000e-01 : f32
        %mul3A_330 = vector.broadcast %mul3A_329 : f32 to vector<16xf32>
        %mul3A_331 = arith.mulf %add3A_328, %mul3A_330 : vector<16xf32>
        %swap3A_332 = arith.index_cast %scan3A_258 : i32 to index
        %swap3A_333 = arith.constant 16 : index
        %swap3A_334 = tpu.vector_load %arg6[%swap3A_332, %swap3A_333] {strides = array<i32>} : memref<32x256xf32, #tpu.memory_space<vmem>>, vector<1x16xf32>,
        %swap3A_335 = vector.shape_cast %swap3A_334 : vector<1x16xf32> to vector<16xf32>
        %swap3A_336 = vector.shape_cast %mul3A_331 : vector<16xf32> to vector<1x16xf32>
        tpu.vector_store %arg6[%swap3A_332, %swap3A_333], %swap3A_336 {strides = array<i32>} : memref<32x256xf32, #tpu.memory_space<vmem>>, vector<1x16xf32>,
        %get3A_337 = arith.index_cast %scan3A_258 : i32 to index
        %get3A_338 = arith.constant 32 : index
        %get3A_339 = tpu.vector_load %arg4[%get3A_337, %get3A_338] {strides = array<i32>} : memref<160x256xf32, #tpu.memory_space<vmem>>, vector<1x16xf32>,
        %get3A_340 = vector.shape_cast %get3A_339 : vector<1x16xf32> to vector<16xf32>
        %add3A_341 = arith.constant 32 : i32
        %add3A_342 = arith.addi %add3A_341, %scan3A_258 : i32
        %get3A_343 = arith.index_cast %add3A_342 : i32 to index
        %get3A_344 = arith.constant 32 : index
        %get3A_345 = tpu.vector_load %arg4[%get3A_343, %get3A_344] {strides = array<i32>} : memref<160x256xf32, #tpu.memory_space<vmem>>, vector<1x16xf32>,
        %get3A_346 = vector.shape_cast %get3A_345 : vector<1x16xf32> to vector<16xf32>
        %add3A_347 = arith.addf %get3A_340, %get3A_346 : vector<16xf32>
        %add3A_348 = arith.constant 64 : i32
        %add3A_349 = arith.addi %add3A_348, %scan3A_258 : i32
        %get3A_350 = arith.index_cast %add3A_349 : i32 to index
        %get3A_351 = arith.constant 32 : index
        %get3A_352 = tpu.vector_load %arg4[%get3A_350, %get3A_351] {strides = array<i32>} : memref<160x256xf32, #tpu.memory_space<vmem>>, vector<1x16xf32>,
        %get3A_353 = vector.shape_cast %get3A_352 : vector<1x16xf32> to vector<16xf32>
        %add3A_354 = arith.addf %add3A_347, %get3A_353 : vector<16xf32>
        %add3A_355 = arith.constant 96 : i32
        %add3A_356 = arith.addi %add3A_355, %scan3A_258 : i32
        %get3A_357 = arith.index_cast %add3A_356 : i32 to index
        %get3A_358 = arith.constant 32 : index
        %get3A_359 = tpu.vector_load %arg4[%get3A_357, %get3A_358] {strides = array<i32>} : memref<160x256xf32, #tpu.memory_space<vmem>>, vector<1x16xf32>,
        %get3A_360 = vector.shape_cast %get3A_359 : vector<1x16xf32> to vector<16xf32>
        %add3A_361 = arith.addf %add3A_354, %get3A_360 : vector<16xf32>
        %add3A_362 = arith.constant 128 : i32
        %add3A_363 = arith.addi %add3A_362, %scan3A_258 : i32
        %get3A_364 = arith.index_cast %add3A_363 : i32 to index
        %get3A_365 = arith.constant 32 : index
        %get3A_366 = tpu.vector_load %arg4[%get3A_364, %get3A_365] {strides = array<i32>} : memref<160x256xf32, #tpu.memory_space<vmem>>, vector<1x16xf32>,
        %get3A_367 = vector.shape_cast %get3A_366 : vector<1x16xf32> to vector<16xf32>
        %add3A_368 = arith.addf %add3A_361, %get3A_367 : vector<16xf32>
        %mul3A_369 = arith.constant 2.000000e-01 : f32
        %mul3A_370 = vector.broadcast %mul3A_369 : f32 to vector<16xf32>
        %mul3A_371 = arith.mulf %add3A_368, %mul3A_370 : vector<16xf32>
        %swap3A_372 = arith.index_cast %scan3A_258 : i32 to index
        %swap3A_373 = arith.constant 32 : index
        %swap3A_374 = tpu.vector_load %arg6[%swap3A_372, %swap3A_373] {strides = array<i32>} : memref<32x256xf32, #tpu.memory_space<vmem>>, vector<1x16xf32>,
        %swap3A_375 = vector.shape_cast %swap3A_374 : vector<1x16xf32> to vector<16xf32>
        %swap3A_376 = vector.shape_cast %mul3A_371 : vector<16xf32> to vector<1x16xf32>
        tpu.vector_store %arg6[%swap3A_372, %swap3A_373], %swap3A_376 {strides = array<i32>} : memref<32x256xf32, #tpu.memory_space<vmem>>, vector<1x16xf32>,
        %get3A_377 = arith.index_cast %scan3A_258 : i32 to index
        %get3A_378 = arith.constant 48 : index
        %get3A_379 = tpu.vector_load %arg4[%get3A_377, %get3A_378] {strides = array<i32>} : memref<160x256xf32, #tpu.memory_space<vmem>>, vector<1x16xf32>,
        %get3A_380 = vector.shape_cast %get3A_379 : vector<1x16xf32> to vector<16xf32>
        %add3A_381 = arith.constant 32 : i32
        %add3A_382 = arith.addi %add3A_381, %scan3A_258 : i32
        %get3A_383 = arith.index_cast %add3A_382 : i32 to index
        %get3A_384 = arith.constant 48 : index
        %get3A_385 = tpu.vector_load %arg4[%get3A_383, %get3A_384] {strides = array<i32>} : memref<160x256xf32, #tpu.memory_space<vmem>>, vector<1x16xf32>,
        %get3A_386 = vector.shape_cast %get3A_385 : vector<1x16xf32> to vector<16xf32>
        %add3A_387 = arith.addf %get3A_380, %get3A_386 : vector<16xf32>
        %add3A_388 = arith.constant 64 : i32
        %add3A_389 = arith.addi %add3A_388, %scan3A_258 : i32
        %get3A_390 = arith.index_cast %add3A_389 : i32 to index
        %get3A_391 = arith.constant 48 : index
        %get3A_392 = tpu.vector_load %arg4[%get3A_390, %get3A_391] {strides = array<i32>} : memref<160x256xf32, #tpu.memory_space<vmem>>, vector<1x16xf32>,
        %get3A_393 = vector.shape_cast %get3A_392 : vector<1x16xf32> to vector<16xf32>
        %add3A_394 = arith.addf %add3A_387, %get3A_393 : vector<16xf32>
        %add3A_395 = arith.constant 96 : i32
        %add3A_396 = arith.addi %add3A_395, %scan3A_258 : i32
        %get3A_397 = arith.index_cast %add3A_396 : i32 to index
        %get3A_398 = arith.constant 48 : index
        %get3A_399 = tpu.vector_load %arg4[%get3A_397, %get3A_398] {strides = array<i32>} : memref<160x256xf32, #tpu.memory_space<vmem>>, vector<1x16xf32>,
        %get3A_400 = vector.shape_cast %get3A_399 : vector<1x16xf32> to vector<16xf32>
        %add3A_401 = arith.addf %add3A_394, %get3A_400 : vector<16xf32>
        %add3A_402 = arith.constant 128 : i32
        %add3A_403 = arith.addi %add3A_402, %scan3A_258 : i32
        %get3A_404 = arith.index_cast %add3A_403 : i32 to index
        %get3A_405 = arith.constant 48 : index
        %get3A_406 = tpu.vector_load %arg4[%get3A_404, %get3A_405] {strides = array<i32>} : memref<160x256xf32, #tpu.memory_space<vmem>>, vector<1x16xf32>,
        %get3A_407 = vector.shape_cast %get3A_406 : vector<1x16xf32> to vector<16xf32>
        %add3A_408 = arith.addf %add3A_401, %get3A_407 : vector<16xf32>
        %mul3A_409 = arith.constant 2.000000e-01 : f32
        %mul3A_410 = vector.broadcast %mul3A_409 : f32 to vector<16xf32>
        %mul3A_411 = arith.mulf %add3A_408, %mul3A_410 : vector<16xf32>
        %swap3A_412 = arith.index_cast %scan3A_258 : i32 to index
        %swap3A_413 = arith.constant 48 : index
        %swap3A_414 = tpu.vector_load %arg6[%swap3A_412, %swap3A_413] {strides = array<i32>} : memref<32x256xf32, #tpu.memory_space<vmem>>, vector<1x16xf32>,
        %swap3A_415 = vector.shape_cast %swap3A_414 : vector<1x16xf32> to vector<16xf32>
        %swap3A_416 = vector.shape_cast %mul3A_411 : vector<16xf32> to vector<1x16xf32>
        tpu.vector_store %arg6[%swap3A_412, %swap3A_413], %swap3A_416 {strides = array<i32>} : memref<32x256xf32, #tpu.memory_space<vmem>>, vector<1x16xf32>,
        %get3A_417 = arith.index_cast %scan3A_258 : i32 to index
        %get3A_418 = arith.constant 64 : index
        %get3A_419 = tpu.vector_load %arg4[%get3A_417, %get3A_418] {strides = array<i32>} : memref<160x256xf32, #tpu.memory_space<vmem>>, vector<1x16xf32>,
        %get3A_420 = vector.shape_cast %get3A_419 : vector<1x16xf32> to vector<16xf32>
        %add3A_421 = arith.constant 32 : i32
        %add3A_422 = arith.addi %add3A_421, %scan3A_258 : i32
        %get3A_423 = arith.index_cast %add3A_422 : i32 to index
        %get3A_424 = arith.constant 64 : index
        %get3A_425 = tpu.vector_load %arg4[%get3A_423, %get3A_424] {strides = array<i32>} : memref<160x256xf32, #tpu.memory_space<vmem>>, vector<1x16xf32>,
        %get3A_426 = vector.shape_cast %get3A_425 : vector<1x16xf32> to vector<16xf32>
        %add3A_427 = arith.addf %get3A_420, %get3A_426 : vector<16xf32>
        %add3A_428 = arith.constant 64 : i32
        %add3A_429 = arith.addi %add3A_428, %scan3A_258 : i32
        %get3A_430 = arith.index_cast %add3A_429 : i32 to index
        %get3A_431 = arith.constant 64 : index
        %get3A_432 = tpu.vector_load %arg4[%get3A_430, %get3A_431] {strides = array<i32>} : memref<160x256xf32, #tpu.memory_space<vmem>>, vector<1x16xf32>,
        %get3A_433 = vector.shape_cast %get3A_432 : vector<1x16xf32> to vector<16xf32>
        %add3A_434 = arith.addf %add3A_427, %get3A_433 : vector<16xf32>
        %add3A_435 = arith.constant 96 : i32
        %add3A_436 = arith.addi %add3A_435, %scan3A_258 : i32
        %get3A_437 = arith.index_cast %add3A_436 : i32 to index
        %get3A_438 = arith.constant 64 : index
        %get3A_439 = tpu.vector_load %arg4[%get3A_437, %get3A_438] {strides = array<i32>} : memref<160x256xf32, #tpu.memory_space<vmem>>, vector<1x16xf32>,
        %get3A_440 = vector.shape_cast %get3A_439 : vector<1x16xf32> to vector<16xf32>
        %add3A_441 = arith.addf %add3A_434, %get3A_440 : vector<16xf32>
        %add3A_442 = arith.constant 128 : i32
        %add3A_443 = arith.addi %add3A_442, %scan3A_258 : i32
        %get3A_444 = arith.index_cast %add3A_443 : i32 to index
        %get3A_445 = arith.constant 64 : index
        %get3A_446 = tpu.vector_load %arg4[%get3A_444, %get3A_445] {strides = array<i32>} : memref<160x256xf32, #tpu.memory_space<vmem>>, vector<1x16xf32>,
        %get3A_447 = vector.shape_cast %get3A_446 : vector<1x16xf32> to vector<16xf32>
        %add3A_448 = arith.addf %add3A_441, %get3A_447 : vector<16xf32>
        %mul3A_449 = arith.constant 2.000000e-01 : f32
        %mul3A_450 = vector.broadcast %mul3A_449 : f32 to vector<16xf32>
        %mul3A_451 = arith.mulf %add3A_448, %mul3A_450 : vector<16xf32>
        %swap3A_452 = arith.index_cast %scan3A_258 : i32 to index
        %swap3A_453 = arith.constant 64 : index
        %swap3A_454 = tpu.vector_load %arg6[%swap3A_452, %swap3A_453] {strides = array<i32>} : memref<32x256xf32, #tpu.memory_space<vmem>>, vector<1x16xf32>,
        %swap3A_455 = vector.shape_cast %swap3A_454 : vector<1x16xf32> to vector<16xf32>
        %swap3A_456 = vector.shape_cast %mul3A_451 : vector<16xf32> to vector<1x16xf32>
        tpu.vector_store %arg6[%swap3A_452, %swap3A_453], %swap3A_456 {strides = array<i32>} : memref<32x256xf32, #tpu.memory_space<vmem>>, vector<1x16xf32>,
        %get3A_457 = arith.index_cast %scan3A_258 : i32 to index
        %get3A_458 = arith.constant 80 : index
        %get3A_459 = tpu.vector_load %arg4[%get3A_457, %get3A_458] {strides = array<i32>} : memref<160x256xf32, #tpu.memory_space<vmem>>, vector<1x16xf32>,
        %get3A_460 = vector.shape_cast %get3A_459 : vector<1x16xf32> to vector<16xf32>
        %add3A_461 = arith.constant 32 : i32
        %add3A_462 = arith.addi %add3A_461, %scan3A_258 : i32
        %get3A_463 = arith.index_cast %add3A_462 : i32 to index
        %get3A_464 = arith.constant 80 : index
        %get3A_465 = tpu.vector_load %arg4[%get3A_463, %get3A_464] {strides = array<i32>} : memref<160x256xf32, #tpu.memory_space<vmem>>, vector<1x16xf32>,
        %get3A_466 = vector.shape_cast %get3A_465 : vector<1x16xf32> to vector<16xf32>
        %add3A_467 = arith.addf %get3A_460, %get3A_466 : vector<16xf32>
        %add3A_468 = arith.constant 64 : i32
        %add3A_469 = arith.addi %add3A_468, %scan3A_258 : i32
        %get3A_470 = arith.index_cast %add3A_469 : i32 to index
        %get3A_471 = arith.constant 80 : index
        %get3A_472 = tpu.vector_load %arg4[%get3A_470, %get3A_471] {strides = array<i32>} : memref<160x256xf32, #tpu.memory_space<vmem>>, vector<1x16xf32>,
        %get3A_473 = vector.shape_cast %get3A_472 : vector<1x16xf32> to vector<16xf32>
        %add3A_474 = arith.addf %add3A_467, %get3A_473 : vector<16xf32>
        %add3A_475 = arith.constant 96 : i32
        %add3A_476 = arith.addi %add3A_475, %scan3A_258 : i32
        %get3A_477 = arith.index_cast %add3A_476 : i32 to index
        %get3A_478 = arith.constant 80 : index
        %get3A_479 = tpu.vector_load %arg4[%get3A_477, %get3A_478] {strides = array<i32>} : memref<160x256xf32, #tpu.memory_space<vmem>>, vector<1x16xf32>,
        %get3A_480 = vector.shape_cast %get3A_479 : vector<1x16xf32> to vector<16xf32>
        %add3A_481 = arith.addf %add3A_474, %get3A_480 : vector<16xf32>
        %add3A_482 = arith.constant 128 : i32
        %add3A_483 = arith.addi %add3A_482, %scan3A_258 : i32
        %get3A_484 = arith.index_cast %add3A_483 : i32 to index
        %get3A_485 = arith.constant 80 : index
        %get3A_486 = tpu.vector_load %arg4[%get3A_484, %get3A_485] {strides = array<i32>} : memref<160x256xf32, #tpu.memory_space<vmem>>, vector<1x16xf32>,
        %get3A_487 = vector.shape_cast %get3A_486 : vector<1x16xf32> to vector<16xf32>
        %add3A_488 = arith.addf %add3A_481, %get3A_487 : vector<16xf32>
        %mul3A_489 = arith.constant 2.000000e-01 : f32
        %mul3A_490 = vector.broadcast %mul3A_489 : f32 to vector<16xf32>
        %mul3A_491 = arith.mulf %add3A_488, %mul3A_490 : vector<16xf32>
        %swap3A_492 = arith.index_cast %scan3A_258 : i32 to index
        %swap3A_493 = arith.constant 80 : index
        %swap3A_494 = tpu.vector_load %arg6[%swap3A_492, %swap3A_493] {strides = array<i32>} : memref<32x256xf32, #tpu.memory_space<vmem>>, vector<1x16xf32>,
        %swap3A_495 = vector.shape_cast %swap3A_494 : vector<1x16xf32> to vector<16xf32>
        %swap3A_496 = vector.shape_cast %mul3A_491 : vector<16xf32> to vector<1x16xf32>
        tpu.vector_store %arg6[%swap3A_492, %swap3A_493], %swap3A_496 {strides = array<i32>} : memref<32x256xf32, #tpu.memory_space<vmem>>, vector<1x16xf32>,
        %get3A_497 = arith.index_cast %scan3A_258 : i32 to index
        %get3A_498 = arith.constant 96 : index
        %get3A_499 = tpu.vector_load %arg4[%get3A_497, %get3A_498] {strides = array<i32>} : memref<160x256xf32, #tpu.memory_space<vmem>>, vector<1x16xf32>,
        %get3A_500 = vector.shape_cast %get3A_499 : vector<1x16xf32> to vector<16xf32>
        %add3A_501 = arith.constant 32 : i32
        %add3A_502 = arith.addi %add3A_501, %scan3A_258 : i32
        %get3A_503 = arith.index_cast %add3A_502 : i32 to index
        %get3A_504 = arith.constant 96 : index
        %get3A_505 = tpu.vector_load %arg4[%get3A_503, %get3A_504] {strides = array<i32>} : memref<160x256xf32, #tpu.memory_space<vmem>>, vector<1x16xf32>,
        %get3A_506 = vector.shape_cast %get3A_505 : vector<1x16xf32> to vector<16xf32>
        %add3A_507 = arith.addf %get3A_500, %get3A_506 : vector<16xf32>
        %add3A_508 = arith.constant 64 : i32
        %add3A_509 = arith.addi %add3A_508, %scan3A_258 : i32
        %get3A_510 = arith.index_cast %add3A_509 : i32 to index
        %get3A_511 = arith.constant 96 : index
        %get3A_512 = tpu.vector_load %arg4[%get3A_510, %get3A_511] {strides = array<i32>} : memref<160x256xf32, #tpu.memory_space<vmem>>, vector<1x16xf32>,
        %get3A_513 = vector.shape_cast %get3A_512 : vector<1x16xf32> to vector<16xf32>
        %add3A_514 = arith.addf %add3A_507, %get3A_513 : vector<16xf32>
        %add3A_515 = arith.constant 96 : i32
        %add3A_516 = arith.addi %add3A_515, %scan3A_258 : i32
        %get3A_517 = arith.index_cast %add3A_516 : i32 to index
        %get3A_518 = arith.constant 96 : index
        %get3A_519 = tpu.vector_load %arg4[%get3A_517, %get3A_518] {strides = array<i32>} : memref<160x256xf32, #tpu.memory_space<vmem>>, vector<1x16xf32>,
        %get3A_520 = vector.shape_cast %get3A_519 : vector<1x16xf32> to vector<16xf32>
        %add3A_521 = arith.addf %add3A_514, %get3A_520 : vector<16xf32>
        %add3A_522 = arith.constant 128 : i32
        %add3A_523 = arith.addi %add3A_522, %scan3A_258 : i32
        %get3A_524 = arith.index_cast %add3A_523 : i32 to index
        %get3A_525 = arith.constant 96 : index
        %get3A_526 = tpu.vector_load %arg4[%get3A_524, %get3A_525] {strides = array<i32>} : memref<160x256xf32, #tpu.memory_space<vmem>>, vector<1x16xf32>,
        %get3A_527 = vector.shape_cast %get3A_526 : vector<1x16xf32> to vector<16xf32>
        %add3A_528 = arith.addf %add3A_521, %get3A_527 : vector<16xf32>
        %mul3A_529 = arith.constant 2.000000e-01 : f32
        %mul3A_530 = vector.broadcast %mul3A_529 : f32 to vector<16xf32>
        %mul3A_531 = arith.mulf %add3A_528, %mul3A_530 : vector<16xf32>
        %swap3A_532 = arith.index_cast %scan3A_258 : i32 to index
        %swap3A_533 = arith.constant 96 : index
        %swap3A_534 = tpu.vector_load %arg6[%swap3A_532, %swap3A_533] {strides = array<i32>} : memref<32x256xf32, #tpu.memory_space<vmem>>, vector<1x16xf32>,
        %swap3A_535 = vector.shape_cast %swap3A_534 : vector<1x16xf32> to vector<16xf32>
        %swap3A_536 = vector.shape_cast %mul3A_531 : vector<16xf32> to vector<1x16xf32>
        tpu.vector_store %arg6[%swap3A_532, %swap3A_533], %swap3A_536 {strides = array<i32>} : memref<32x256xf32, #tpu.memory_space<vmem>>, vector<1x16xf32>,
        %get3A_537 = arith.index_cast %scan3A_258 : i32 to index
        %get3A_538 = arith.constant 112 : index
        %get3A_539 = tpu.vector_load %arg4[%get3A_537, %get3A_538] {strides = array<i32>} : memref<160x256xf32, #tpu.memory_space<vmem>>, vector<1x16xf32>,
        %get3A_540 = vector.shape_cast %get3A_539 : vector<1x16xf32> to vector<16xf32>
        %add3A_541 = arith.constant 32 : i32
        %add3A_542 = arith.addi %add3A_541, %scan3A_258 : i32
        %get3A_543 = arith.index_cast %add3A_542 : i32 to index
        %get3A_544 = arith.constant 112 : index
        %get3A_545 = tpu.vector_load %arg4[%get3A_543, %get3A_544] {strides = array<i32>} : memref<160x256xf32, #tpu.memory_space<vmem>>, vector<1x16xf32>,
        %get3A_546 = vector.shape_cast %get3A_545 : vector<1x16xf32> to vector<16xf32>
        %add3A_547 = arith.addf %get3A_540, %get3A_546 : vector<16xf32>
        %add3A_548 = arith.constant 64 : i32
        %add3A_549 = arith.addi %add3A_548, %scan3A_258 : i32
        %get3A_550 = arith.index_cast %add3A_549 : i32 to index
        %get3A_551 = arith.constant 112 : index
        %get3A_552 = tpu.vector_load %arg4[%get3A_550, %get3A_551] {strides = array<i32>} : memref<160x256xf32, #tpu.memory_space<vmem>>, vector<1x16xf32>,
        %get3A_553 = vector.shape_cast %get3A_552 : vector<1x16xf32> to vector<16xf32>
        %add3A_554 = arith.addf %add3A_547, %get3A_553 : vector<16xf32>
        %add3A_555 = arith.constant 96 : i32
        %add3A_556 = arith.addi %add3A_555, %scan3A_258 : i32
        %get3A_557 = arith.index_cast %add3A_556 : i32 to index
        %get3A_558 = arith.constant 112 : index
        %get3A_559 = tpu.vector_load %arg4[%get3A_557, %get3A_558] {strides = array<i32>} : memref<160x256xf32, #tpu.memory_space<vmem>>, vector<1x16xf32>,
        %get3A_560 = vector.shape_cast %get3A_559 : vector<1x16xf32> to vector<16xf32>
        %add3A_561 = arith.addf %add3A_554, %get3A_560 : vector<16xf32>
        %add3A_562 = arith.constant 128 : i32
        %add3A_563 = arith.addi %add3A_562, %scan3A_258 : i32
        %get3A_564 = arith.index_cast %add3A_563 : i32 to index
        %get3A_565 = arith.constant 112 : index
        %get3A_566 = tpu.vector_load %arg4[%get3A_564, %get3A_565] {strides = array<i32>} : memref<160x256xf32, #tpu.memory_space<vmem>>, vector<1x16xf32>,
        %get3A_567 = vector.shape_cast %get3A_566 : vector<1x16xf32> to vector<16xf32>
        %add3A_568 = arith.addf %add3A_561, %get3A_567 : vector<16xf32>
        %mul3A_569 = arith.constant 2.000000e-01 : f32
        %mul3A_570 = vector.broadcast %mul3A_569 : f32 to vector<16xf32>
        %mul3A_571 = arith.mulf %add3A_568, %mul3A_570 : vector<16xf32>
        %swap3A_572 = arith.index_cast %scan3A_258 : i32 to index
        %swap3A_573 = arith.constant 112 : index
        %swap3A_574 = tpu.vector_load %arg6[%swap3A_572, %swap3A_573] {strides = array<i32>} : memref<32x256xf32, #tpu.memory_space<vmem>>, vector<1x16xf32>,
        %swap3A_575 = vector.shape_cast %swap3A_574 : vector<1x16xf32> to vector<16xf32>
        %swap3A_576 = vector.shape_cast %mul3A_571 : vector<16xf32> to vector<1x16xf32>
        tpu.vector_store %arg6[%swap3A_572, %swap3A_573], %swap3A_576 {strides = array<i32>} : memref<32x256xf32, #tpu.memory_space<vmem>>, vector<1x16xf32>,
        %get3A_577 = arith.index_cast %scan3A_258 : i32 to index
        %get3A_578 = arith.constant 128 : index
        %get3A_579 = tpu.vector_load %arg4[%get3A_577, %get3A_578] {strides = array<i32>} : memref<160x256xf32, #tpu.memory_space<vmem>>, vector<1x16xf32>,
        %get3A_580 = vector.shape_cast %get3A_579 : vector<1x16xf32> to vector<16xf32>
        %add3A_581 = arith.constant 32 : i32
        %add3A_582 = arith.addi %add3A_581, %scan3A_258 : i32
        %get3A_583 = arith.index_cast %add3A_582 : i32 to index
        %get3A_584 = arith.constant 128 : index
        %get3A_585 = tpu.vector_load %arg4[%get3A_583, %get3A_584] {strides = array<i32>} : memref<160x256xf32, #tpu.memory_space<vmem>>, vector<1x16xf32>,
        %get3A_586 = vector.shape_cast %get3A_585 : vector<1x16xf32> to vector<16xf32>
        %add3A_587 = arith.addf %get3A_580, %get3A_586 : vector<16xf32>
        %add3A_588 = arith.constant 64 : i32
        %add3A_589 = arith.addi %add3A_588, %scan3A_258 : i32
        %get3A_590 = arith.index_cast %add3A_589 : i32 to index
        %get3A_591 = arith.constant 128 : index
        %get3A_592 = tpu.vector_load %arg4[%get3A_590, %get3A_591] {strides = array<i32>} : memref<160x256xf32, #tpu.memory_space<vmem>>, vector<1x16xf32>,
        %get3A_593 = vector.shape_cast %get3A_592 : vector<1x16xf32> to vector<16xf32>
        %add3A_594 = arith.addf %add3A_587, %get3A_593 : vector<16xf32>
        %add3A_595 = arith.constant 96 : i32
        %add3A_596 = arith.addi %add3A_595, %scan3A_258 : i32
        %get3A_597 = arith.index_cast %add3A_596 : i32 to index
        %get3A_598 = arith.constant 128 : index
        %get3A_599 = tpu.vector_load %arg4[%get3A_597, %get3A_598] {strides = array<i32>} : memref<160x256xf32, #tpu.memory_space<vmem>>, vector<1x16xf32>,
        %get3A_600 = vector.shape_cast %get3A_599 : vector<1x16xf32> to vector<16xf32>
        %add3A_601 = arith.addf %add3A_594, %get3A_600 : vector<16xf32>
        %add3A_602 = arith.constant 128 : i32
        %add3A_603 = arith.addi %add3A_602, %scan3A_258 : i32
        %get3A_604 = arith.index_cast %add3A_603 : i32 to index
        %get3A_605 = arith.constant 128 : index
        %get3A_606 = tpu.vector_load %arg4[%get3A_604, %get3A_605] {strides = array<i32>} : memref<160x256xf32, #tpu.memory_space<vmem>>, vector<1x16xf32>,
        %get3A_607 = vector.shape_cast %get3A_606 : vector<1x16xf32> to vector<16xf32>
        %add3A_608 = arith.addf %add3A_601, %get3A_607 : vector<16xf32>
        %mul3A_609 = arith.constant 2.000000e-01 : f32
        %mul3A_610 = vector.broadcast %mul3A_609 : f32 to vector<16xf32>
        %mul3A_611 = arith.mulf %add3A_608, %mul3A_610 : vector<16xf32>
        %swap3A_612 = arith.index_cast %scan3A_258 : i32 to index
        %swap3A_613 = arith.constant 128 : index
        %swap3A_614 = tpu.vector_load %arg6[%swap3A_612, %swap3A_613] {strides = array<i32>} : memref<32x256xf32, #tpu.memory_space<vmem>>, vector<1x16xf32>,
        %swap3A_615 = vector.shape_cast %swap3A_614 : vector<1x16xf32> to vector<16xf32>
        %swap3A_616 = vector.shape_cast %mul3A_611 : vector<16xf32> to vector<1x16xf32>
        tpu.vector_store %arg6[%swap3A_612, %swap3A_613], %swap3A_616 {strides = array<i32>} : memref<32x256xf32, #tpu.memory_space<vmem>>, vector<1x16xf32>,
        %get3A_617 = arith.index_cast %scan3A_258 : i32 to index
        %get3A_618 = arith.constant 144 : index
        %get3A_619 = tpu.vector_load %arg4[%get3A_617, %get3A_618] {strides = array<i32>} : memref<160x256xf32, #tpu.memory_space<vmem>>, vector<1x16xf32>,
        %get3A_620 = vector.shape_cast %get3A_619 : vector<1x16xf32> to vector<16xf32>
        %add3A_621 = arith.constant 32 : i32
        %add3A_622 = arith.addi %add3A_621, %scan3A_258 : i32
        %get3A_623 = arith.index_cast %add3A_622 : i32 to index
        %get3A_624 = arith.constant 144 : index
        %get3A_625 = tpu.vector_load %arg4[%get3A_623, %get3A_624] {strides = array<i32>} : memref<160x256xf32, #tpu.memory_space<vmem>>, vector<1x16xf32>,
        %get3A_626 = vector.shape_cast %get3A_625 : vector<1x16xf32> to vector<16xf32>
        %add3A_627 = arith.addf %get3A_620, %get3A_626 : vector<16xf32>
        %add3A_628 = arith.constant 64 : i32
        %add3A_629 = arith.addi %add3A_628, %scan3A_258 : i32
        %get3A_630 = arith.index_cast %add3A_629 : i32 to index
        %get3A_631 = arith.constant 144 : index
        %get3A_632 = tpu.vector_load %arg4[%get3A_630, %get3A_631] {strides = array<i32>} : memref<160x256xf32, #tpu.memory_space<vmem>>, vector<1x16xf32>,
        %get3A_633 = vector.shape_cast %get3A_632 : vector<1x16xf32> to vector<16xf32>
        %add3A_634 = arith.addf %add3A_627, %get3A_633 : vector<16xf32>
        %add3A_635 = arith.constant 96 : i32
        %add3A_636 = arith.addi %add3A_635, %scan3A_258 : i32
        %get3A_637 = arith.index_cast %add3A_636 : i32 to index
        %get3A_638 = arith.constant 144 : index
        %get3A_639 = tpu.vector_load %arg4[%get3A_637, %get3A_638] {strides = array<i32>} : memref<160x256xf32, #tpu.memory_space<vmem>>, vector<1x16xf32>,
        %get3A_640 = vector.shape_cast %get3A_639 : vector<1x16xf32> to vector<16xf32>
        %add3A_641 = arith.addf %add3A_634, %get3A_640 : vector<16xf32>
        %add3A_642 = arith.constant 128 : i32
        %add3A_643 = arith.addi %add3A_642, %scan3A_258 : i32
        %get3A_644 = arith.index_cast %add3A_643 : i32 to index
        %get3A_645 = arith.constant 144 : index
        %get3A_646 = tpu.vector_load %arg4[%get3A_644, %get3A_645] {strides = array<i32>} : memref<160x256xf32, #tpu.memory_space<vmem>>, vector<1x16xf32>,
        %get3A_647 = vector.shape_cast %get3A_646 : vector<1x16xf32> to vector<16xf32>
        %add3A_648 = arith.addf %add3A_641, %get3A_647 : vector<16xf32>
        %mul3A_649 = arith.constant 2.000000e-01 : f32
        %mul3A_650 = vector.broadcast %mul3A_649 : f32 to vector<16xf32>
        %mul3A_651 = arith.mulf %add3A_648, %mul3A_650 : vector<16xf32>
        %swap3A_652 = arith.index_cast %scan3A_258 : i32 to index
        %swap3A_653 = arith.constant 144 : index
        %swap3A_654 = tpu.vector_load %arg6[%swap3A_652, %swap3A_653] {strides = array<i32>} : memref<32x256xf32, #tpu.memory_space<vmem>>, vector<1x16xf32>,
        %swap3A_655 = vector.shape_cast %swap3A_654 : vector<1x16xf32> to vector<16xf32>
        %swap3A_656 = vector.shape_cast %mul3A_651 : vector<16xf32> to vector<1x16xf32>
        tpu.vector_store %arg6[%swap3A_652, %swap3A_653], %swap3A_656 {strides = array<i32>} : memref<32x256xf32, #tpu.memory_space<vmem>>, vector<1x16xf32>,
        %get3A_657 = arith.index_cast %scan3A_258 : i32 to index
        %get3A_658 = arith.constant 160 : index
        %get3A_659 = tpu.vector_load %arg4[%get3A_657, %get3A_658] {strides = array<i32>} : memref<160x256xf32, #tpu.memory_space<vmem>>, vector<1x16xf32>,
        %get3A_660 = vector.shape_cast %get3A_659 : vector<1x16xf32> to vector<16xf32>
        %add3A_661 = arith.constant 32 : i32
        %add3A_662 = arith.addi %add3A_661, %scan3A_258 : i32
        %get3A_663 = arith.index_cast %add3A_662 : i32 to index
        %get3A_664 = arith.constant 160 : index
        %get3A_665 = tpu.vector_load %arg4[%get3A_663, %get3A_664] {strides = array<i32>} : memref<160x256xf32, #tpu.memory_space<vmem>>, vector<1x16xf32>,
        %get3A_666 = vector.shape_cast %get3A_665 : vector<1x16xf32> to vector<16xf32>
        %add3A_667 = arith.addf %get3A_660, %get3A_666 : vector<16xf32>
        %add3A_668 = arith.constant 64 : i32
        %add3A_669 = arith.addi %add3A_668, %scan3A_258 : i32
        %get3A_670 = arith.index_cast %add3A_669 : i32 to index
        %get3A_671 = arith.constant 160 : index
        %get3A_672 = tpu.vector_load %arg4[%get3A_670, %get3A_671] {strides = array<i32>} : memref<160x256xf32, #tpu.memory_space<vmem>>, vector<1x16xf32>,
        %get3A_673 = vector.shape_cast %get3A_672 : vector<1x16xf32> to vector<16xf32>
        %add3A_674 = arith.addf %add3A_667, %get3A_673 : vector<16xf32>
        %add3A_675 = arith.constant 96 : i32
        %add3A_676 = arith.addi %add3A_675, %scan3A_258 : i32
        %get3A_677 = arith.index_cast %add3A_676 : i32 to index
        %get3A_678 = arith.constant 160 : index
        %get3A_679 = tpu.vector_load %arg4[%get3A_677, %get3A_678] {strides = array<i32>} : memref<160x256xf32, #tpu.memory_space<vmem>>, vector<1x16xf32>,
        %get3A_680 = vector.shape_cast %get3A_679 : vector<1x16xf32> to vector<16xf32>
        %add3A_681 = arith.addf %add3A_674, %get3A_680 : vector<16xf32>
        %add3A_682 = arith.constant 128 : i32
        %add3A_683 = arith.addi %add3A_682, %scan3A_258 : i32
        %get3A_684 = arith.index_cast %add3A_683 : i32 to index
        %get3A_685 = arith.constant 160 : index
        %get3A_686 = tpu.vector_load %arg4[%get3A_684, %get3A_685] {strides = array<i32>} : memref<160x256xf32, #tpu.memory_space<vmem>>, vector<1x16xf32>,
        %get3A_687 = vector.shape_cast %get3A_686 : vector<1x16xf32> to vector<16xf32>
        %add3A_688 = arith.addf %add3A_681, %get3A_687 : vector<16xf32>
        %mul3A_689 = arith.constant 2.000000e-01 : f32
        %mul3A_690 = vector.broadcast %mul3A_689 : f32 to vector<16xf32>
        %mul3A_691 = arith.mulf %add3A_688, %mul3A_690 : vector<16xf32>
        %swap3A_692 = arith.index_cast %scan3A_258 : i32 to index
        %swap3A_693 = arith.constant 160 : index
        %swap3A_694 = tpu.vector_load %arg6[%swap3A_692, %swap3A_693] {strides = array<i32>} : memref<32x256xf32, #tpu.memory_space<vmem>>, vector<1x16xf32>,
        %swap3A_695 = vector.shape_cast %swap3A_694 : vector<1x16xf32> to vector<16xf32>
        %swap3A_696 = vector.shape_cast %mul3A_691 : vector<16xf32> to vector<1x16xf32>
        tpu.vector_store %arg6[%swap3A_692, %swap3A_693], %swap3A_696 {strides = array<i32>} : memref<32x256xf32, #tpu.memory_space<vmem>>, vector<1x16xf32>,
        %get3A_697 = arith.index_cast %scan3A_258 : i32 to index
        %get3A_698 = arith.constant 176 : index
        %get3A_699 = tpu.vector_load %arg4[%get3A_697, %get3A_698] {strides = array<i32>} : memref<160x256xf32, #tpu.memory_space<vmem>>, vector<1x16xf32>,
        %get3A_700 = vector.shape_cast %get3A_699 : vector<1x16xf32> to vector<16xf32>
        %add3A_701 = arith.constant 32 : i32
        %add3A_702 = arith.addi %add3A_701, %scan3A_258 : i32
        %get3A_703 = arith.index_cast %add3A_702 : i32 to index
        %get3A_704 = arith.constant 176 : index
        %get3A_705 = tpu.vector_load %arg4[%get3A_703, %get3A_704] {strides = array<i32>} : memref<160x256xf32, #tpu.memory_space<vmem>>, vector<1x16xf32>,
        %get3A_706 = vector.shape_cast %get3A_705 : vector<1x16xf32> to vector<16xf32>
        %add3A_707 = arith.addf %get3A_700, %get3A_706 : vector<16xf32>
        %add3A_708 = arith.constant 64 : i32
        %add3A_709 = arith.addi %add3A_708, %scan3A_258 : i32
        %get3A_710 = arith.index_cast %add3A_709 : i32 to index
        %get3A_711 = arith.constant 176 : index
        %get3A_712 = tpu.vector_load %arg4[%get3A_710, %get3A_711] {strides = array<i32>} : memref<160x256xf32, #tpu.memory_space<vmem>>, vector<1x16xf32>,
        %get3A_713 = vector.shape_cast %get3A_712 : vector<1x16xf32> to vector<16xf32>
        %add3A_714 = arith.addf %add3A_707, %get3A_713 : vector<16xf32>
        %add3A_715 = arith.constant 96 : i32
        %add3A_716 = arith.addi %add3A_715, %scan3A_258 : i32
        %get3A_717 = arith.index_cast %add3A_716 : i32 to index
        %get3A_718 = arith.constant 176 : index
        %get3A_719 = tpu.vector_load %arg4[%get3A_717, %get3A_718] {strides = array<i32>} : memref<160x256xf32, #tpu.memory_space<vmem>>, vector<1x16xf32>,
        %get3A_720 = vector.shape_cast %get3A_719 : vector<1x16xf32> to vector<16xf32>
        %add3A_721 = arith.addf %add3A_714, %get3A_720 : vector<16xf32>
        %add3A_722 = arith.constant 128 : i32
        %add3A_723 = arith.addi %add3A_722, %scan3A_258 : i32
        %get3A_724 = arith.index_cast %add3A_723 : i32 to index
        %get3A_725 = arith.constant 176 : index
        %get3A_726 = tpu.vector_load %arg4[%get3A_724, %get3A_725] {strides = array<i32>} : memref<160x256xf32, #tpu.memory_space<vmem>>, vector<1x16xf32>,
        %get3A_727 = vector.shape_cast %get3A_726 : vector<1x16xf32> to vector<16xf32>
        %add3A_728 = arith.addf %add3A_721, %get3A_727 : vector<16xf32>
        %mul3A_729 = arith.constant 2.000000e-01 : f32
        %mul3A_730 = vector.broadcast %mul3A_729 : f32 to vector<16xf32>
        %mul3A_731 = arith.mulf %add3A_728, %mul3A_730 : vector<16xf32>
        %swap3A_732 = arith.index_cast %scan3A_258 : i32 to index
        %swap3A_733 = arith.constant 176 : index
        %swap3A_734 = tpu.vector_load %arg6[%swap3A_732, %swap3A_733] {strides = array<i32>} : memref<32x256xf32, #tpu.memory_space<vmem>>, vector<1x16xf32>,
        %swap3A_735 = vector.shape_cast %swap3A_734 : vector<1x16xf32> to vector<16xf32>
        %swap3A_736 = vector.shape_cast %mul3A_731 : vector<16xf32> to vector<1x16xf32>
        tpu.vector_store %arg6[%swap3A_732, %swap3A_733], %swap3A_736 {strides = array<i32>} : memref<32x256xf32, #tpu.memory_space<vmem>>, vector<1x16xf32>,
        %get3A_737 = arith.index_cast %scan3A_258 : i32 to index
        %get3A_738 = arith.constant 192 : index
        %get3A_739 = tpu.vector_load %arg4[%get3A_737, %get3A_738] {strides = array<i32>} : memref<160x256xf32, #tpu.memory_space<vmem>>, vector<1x16xf32>,
        %get3A_740 = vector.shape_cast %get3A_739 : vector<1x16xf32> to vector<16xf32>
        %add3A_741 = arith.constant 32 : i32
        %add3A_742 = arith.addi %add3A_741, %scan3A_258 : i32
        %get3A_743 = arith.index_cast %add3A_742 : i32 to index
        %get3A_744 = arith.constant 192 : index
        %get3A_745 = tpu.vector_load %arg4[%get3A_743, %get3A_744] {strides = array<i32>} : memref<160x256xf32, #tpu.memory_space<vmem>>, vector<1x16xf32>,
        %get3A_746 = vector.shape_cast %get3A_745 : vector<1x16xf32> to vector<16xf32>
        %add3A_747 = arith.addf %get3A_740, %get3A_746 : vector<16xf32>
        %add3A_748 = arith.constant 64 : i32
        %add3A_749 = arith.addi %add3A_748, %scan3A_258 : i32
        %get3A_750 = arith.index_cast %add3A_749 : i32 to index
        %get3A_751 = arith.constant 192 : index
        %get3A_752 = tpu.vector_load %arg4[%get3A_750, %get3A_751] {strides = array<i32>} : memref<160x256xf32, #tpu.memory_space<vmem>>, vector<1x16xf32>,
        %get3A_753 = vector.shape_cast %get3A_752 : vector<1x16xf32> to vector<16xf32>
        %add3A_754 = arith.addf %add3A_747, %get3A_753 : vector<16xf32>
        %add3A_755 = arith.constant 96 : i32
        %add3A_756 = arith.addi %add3A_755, %scan3A_258 : i32
        %get3A_757 = arith.index_cast %add3A_756 : i32 to index
        %get3A_758 = arith.constant 192 : index
        %get3A_759 = tpu.vector_load %arg4[%get3A_757, %get3A_758] {strides = array<i32>} : memref<160x256xf32, #tpu.memory_space<vmem>>, vector<1x16xf32>,
        %get3A_760 = vector.shape_cast %get3A_759 : vector<1x16xf32> to vector<16xf32>
        %add3A_761 = arith.addf %add3A_754, %get3A_760 : vector<16xf32>
        %add3A_762 = arith.constant 128 : i32
        %add3A_763 = arith.addi %add3A_762, %scan3A_258 : i32
        %get3A_764 = arith.index_cast %add3A_763 : i32 to index
        %get3A_765 = arith.constant 192 : index
        %get3A_766 = tpu.vector_load %arg4[%get3A_764, %get3A_765] {strides = array<i32>} : memref<160x256xf32, #tpu.memory_space<vmem>>, vector<1x16xf32>,
        %get3A_767 = vector.shape_cast %get3A_766 : vector<1x16xf32> to vector<16xf32>
        %add3A_768 = arith.addf %add3A_761, %get3A_767 : vector<16xf32>
        %mul3A_769 = arith.constant 2.000000e-01 : f32
        %mul3A_770 = vector.broadcast %mul3A_769 : f32 to vector<16xf32>
        %mul3A_771 = arith.mulf %add3A_768, %mul3A_770 : vector<16xf32>
        %swap3A_772 = arith.index_cast %scan3A_258 : i32 to index
        %swap3A_773 = arith.constant 192 : index
        %swap3A_774 = tpu.vector_load %arg6[%swap3A_772, %swap3A_773] {strides = array<i32>} : memref<32x256xf32, #tpu.memory_space<vmem>>, vector<1x16xf32>,
        %swap3A_775 = vector.shape_cast %swap3A_774 : vector<1x16xf32> to vector<16xf32>
        %swap3A_776 = vector.shape_cast %mul3A_771 : vector<16xf32> to vector<1x16xf32>
        tpu.vector_store %arg6[%swap3A_772, %swap3A_773], %swap3A_776 {strides = array<i32>} : memref<32x256xf32, #tpu.memory_space<vmem>>, vector<1x16xf32>,
        %get3A_777 = arith.index_cast %scan3A_258 : i32 to index
        %get3A_778 = arith.constant 208 : index
        %get3A_779 = tpu.vector_load %arg4[%get3A_777, %get3A_778] {strides = array<i32>} : memref<160x256xf32, #tpu.memory_space<vmem>>, vector<1x16xf32>,
        %get3A_780 = vector.shape_cast %get3A_779 : vector<1x16xf32> to vector<16xf32>
        %add3A_781 = arith.constant 32 : i32
        %add3A_782 = arith.addi %add3A_781, %scan3A_258 : i32
        %get3A_783 = arith.index_cast %add3A_782 : i32 to index
        %get3A_784 = arith.constant 208 : index
        %get3A_785 = tpu.vector_load %arg4[%get3A_783, %get3A_784] {strides = array<i32>} : memref<160x256xf32, #tpu.memory_space<vmem>>, vector<1x16xf32>,
        %get3A_786 = vector.shape_cast %get3A_785 : vector<1x16xf32> to vector<16xf32>
        %add3A_787 = arith.addf %get3A_780, %get3A_786 : vector<16xf32>
        %add3A_788 = arith.constant 64 : i32
        %add3A_789 = arith.addi %add3A_788, %scan3A_258 : i32
        %get3A_790 = arith.index_cast %add3A_789 : i32 to index
        %get3A_791 = arith.constant 208 : index
        %get3A_792 = tpu.vector_load %arg4[%get3A_790, %get3A_791] {strides = array<i32>} : memref<160x256xf32, #tpu.memory_space<vmem>>, vector<1x16xf32>,
        %get3A_793 = vector.shape_cast %get3A_792 : vector<1x16xf32> to vector<16xf32>
        %add3A_794 = arith.addf %add3A_787, %get3A_793 : vector<16xf32>
        %add3A_795 = arith.constant 96 : i32
        %add3A_796 = arith.addi %add3A_795, %scan3A_258 : i32
        %get3A_797 = arith.index_cast %add3A_796 : i32 to index
        %get3A_798 = arith.constant 208 : index
        %get3A_799 = tpu.vector_load %arg4[%get3A_797, %get3A_798] {strides = array<i32>} : memref<160x256xf32, #tpu.memory_space<vmem>>, vector<1x16xf32>,
        %get3A_800 = vector.shape_cast %get3A_799 : vector<1x16xf32> to vector<16xf32>
        %add3A_801 = arith.addf %add3A_794, %get3A_800 : vector<16xf32>
        %add3A_802 = arith.constant 128 : i32
        %add3A_803 = arith.addi %add3A_802, %scan3A_258 : i32
        %get3A_804 = arith.index_cast %add3A_803 : i32 to index
        %get3A_805 = arith.constant 208 : index
        %get3A_806 = tpu.vector_load %arg4[%get3A_804, %get3A_805] {strides = array<i32>} : memref<160x256xf32, #tpu.memory_space<vmem>>, vector<1x16xf32>,
        %get3A_807 = vector.shape_cast %get3A_806 : vector<1x16xf32> to vector<16xf32>
        %add3A_808 = arith.addf %add3A_801, %get3A_807 : vector<16xf32>
        %mul3A_809 = arith.constant 2.000000e-01 : f32
        %mul3A_810 = vector.broadcast %mul3A_809 : f32 to vector<16xf32>
        %mul3A_811 = arith.mulf %add3A_808, %mul3A_810 : vector<16xf32>
        %swap3A_812 = arith.index_cast %scan3A_258 : i32 to index
        %swap3A_813 = arith.constant 208 : index
        %swap3A_814 = tpu.vector_load %arg6[%swap3A_812, %swap3A_813] {strides = array<i32>} : memref<32x256xf32, #tpu.memory_space<vmem>>, vector<1x16xf32>,
        %swap3A_815 = vector.shape_cast %swap3A_814 : vector<1x16xf32> to vector<16xf32>
        %swap3A_816 = vector.shape_cast %mul3A_811 : vector<16xf32> to vector<1x16xf32>
        tpu.vector_store %arg6[%swap3A_812, %swap3A_813], %swap3A_816 {strides = array<i32>} : memref<32x256xf32, #tpu.memory_space<vmem>>, vector<1x16xf32>,
        %get3A_817 = arith.index_cast %scan3A_258 : i32 to index
        %get3A_818 = arith.constant 224 : index
        %get3A_819 = tpu.vector_load %arg4[%get3A_817, %get3A_818] {strides = array<i32>} : memref<160x256xf32, #tpu.memory_space<vmem>>, vector<1x16xf32>,
        %get3A_820 = vector.shape_cast %get3A_819 : vector<1x16xf32> to vector<16xf32>
        %add3A_821 = arith.constant 32 : i32
        %add3A_822 = arith.addi %add3A_821, %scan3A_258 : i32
        %get3A_823 = arith.index_cast %add3A_822 : i32 to index
        %get3A_824 = arith.constant 224 : index
        %get3A_825 = tpu.vector_load %arg4[%get3A_823, %get3A_824] {strides = array<i32>} : memref<160x256xf32, #tpu.memory_space<vmem>>, vector<1x16xf32>,
        %get3A_826 = vector.shape_cast %get3A_825 : vector<1x16xf32> to vector<16xf32>
        %add3A_827 = arith.addf %get3A_820, %get3A_826 : vector<16xf32>
        %add3A_828 = arith.constant 64 : i32
        %add3A_829 = arith.addi %add3A_828, %scan3A_258 : i32
        %get3A_830 = arith.index_cast %add3A_829 : i32 to index
        %get3A_831 = arith.constant 224 : index
        %get3A_832 = tpu.vector_load %arg4[%get3A_830, %get3A_831] {strides = array<i32>} : memref<160x256xf32, #tpu.memory_space<vmem>>, vector<1x16xf32>,
        %get3A_833 = vector.shape_cast %get3A_832 : vector<1x16xf32> to vector<16xf32>
        %add3A_834 = arith.addf %add3A_827, %get3A_833 : vector<16xf32>
        %add3A_835 = arith.constant 96 : i32
        %add3A_836 = arith.addi %add3A_835, %scan3A_258 : i32
        %get3A_837 = arith.index_cast %add3A_836 : i32 to index
        %get3A_838 = arith.constant 224 : index
        %get3A_839 = tpu.vector_load %arg4[%get3A_837, %get3A_838] {strides = array<i32>} : memref<160x256xf32, #tpu.memory_space<vmem>>, vector<1x16xf32>,
        %get3A_840 = vector.shape_cast %get3A_839 : vector<1x16xf32> to vector<16xf32>
        %add3A_841 = arith.addf %add3A_834, %get3A_840 : vector<16xf32>
        %add3A_842 = arith.constant 128 : i32
        %add3A_843 = arith.addi %add3A_842, %scan3A_258 : i32
        %get3A_844 = arith.index_cast %add3A_843 : i32 to index
        %get3A_845 = arith.constant 224 : index
        %get3A_846 = tpu.vector_load %arg4[%get3A_844, %get3A_845] {strides = array<i32>} : memref<160x256xf32, #tpu.memory_space<vmem>>, vector<1x16xf32>,
        %get3A_847 = vector.shape_cast %get3A_846 : vector<1x16xf32> to vector<16xf32>
        %add3A_848 = arith.addf %add3A_841, %get3A_847 : vector<16xf32>
        %mul3A_849 = arith.constant 2.000000e-01 : f32
        %mul3A_850 = vector.broadcast %mul3A_849 : f32 to vector<16xf32>
        %mul3A_851 = arith.mulf %add3A_848, %mul3A_850 : vector<16xf32>
        %swap3A_852 = arith.index_cast %scan3A_258 : i32 to index
        %swap3A_853 = arith.constant 224 : index
        %swap3A_854 = tpu.vector_load %arg6[%swap3A_852, %swap3A_853] {strides = array<i32>} : memref<32x256xf32, #tpu.memory_space<vmem>>, vector<1x16xf32>,
        %swap3A_855 = vector.shape_cast %swap3A_854 : vector<1x16xf32> to vector<16xf32>
        %swap3A_856 = vector.shape_cast %mul3A_851 : vector<16xf32> to vector<1x16xf32>
        tpu.vector_store %arg6[%swap3A_852, %swap3A_853], %swap3A_856 {strides = array<i32>} : memref<32x256xf32, #tpu.memory_space<vmem>>, vector<1x16xf32>,
        %get3A_857 = arith.index_cast %scan3A_258 : i32 to index
        %get3A_858 = arith.constant 240 : index
        %get3A_859 = tpu.vector_load %arg4[%get3A_857, %get3A_858] {strides = array<i32>} : memref<160x256xf32, #tpu.memory_space<vmem>>, vector<1x16xf32>,
        %get3A_860 = vector.shape_cast %get3A_859 : vector<1x16xf32> to vector<16xf32>
        %add3A_861 = arith.constant 32 : i32
        %add3A_862 = arith.addi %add3A_861, %scan3A_258 : i32
        %get3A_863 = arith.index_cast %add3A_862 : i32 to index
        %get3A_864 = arith.constant 240 : index
        %get3A_865 = tpu.vector_load %arg4[%get3A_863, %get3A_864] {strides = array<i32>} : memref<160x256xf32, #tpu.memory_space<vmem>>, vector<1x16xf32>,
        %get3A_866 = vector.shape_cast %get3A_865 : vector<1x16xf32> to vector<16xf32>
        %add3A_867 = arith.addf %get3A_860, %get3A_866 : vector<16xf32>
        %add3A_868 = arith.constant 64 : i32
        %add3A_869 = arith.addi %add3A_868, %scan3A_258 : i32
        %get3A_870 = arith.index_cast %add3A_869 : i32 to index
        %get3A_871 = arith.constant 240 : index
        %get3A_872 = tpu.vector_load %arg4[%get3A_870, %get3A_871] {strides = array<i32>} : memref<160x256xf32, #tpu.memory_space<vmem>>, vector<1x16xf32>,
        %get3A_873 = vector.shape_cast %get3A_872 : vector<1x16xf32> to vector<16xf32>
        %add3A_874 = arith.addf %add3A_867, %get3A_873 : vector<16xf32>
        %add3A_875 = arith.constant 96 : i32
        %add3A_876 = arith.addi %add3A_875, %scan3A_258 : i32
        %get3A_877 = arith.index_cast %add3A_876 : i32 to index
        %get3A_878 = arith.constant 240 : index
        %get3A_879 = tpu.vector_load %arg4[%get3A_877, %get3A_878] {strides = array<i32>} : memref<160x256xf32, #tpu.memory_space<vmem>>, vector<1x16xf32>,
        %get3A_880 = vector.shape_cast %get3A_879 : vector<1x16xf32> to vector<16xf32>
        %add3A_881 = arith.addf %add3A_874, %get3A_880 : vector<16xf32>
        %add3A_882 = arith.constant 128 : i32
        %add3A_883 = arith.addi %add3A_882, %scan3A_258 : i32
        %get3A_884 = arith.index_cast %add3A_883 : i32 to index
        %get3A_885 = arith.constant 240 : index
        %get3A_886 = tpu.vector_load %arg4[%get3A_884, %get3A_885] {strides = array<i32>} : memref<160x256xf32, #tpu.memory_space<vmem>>, vector<1x16xf32>,
        %get3A_887 = vector.shape_cast %get3A_886 : vector<1x16xf32> to vector<16xf32>
        %add3A_888 = arith.addf %add3A_881, %get3A_887 : vector<16xf32>
        %mul3A_889 = arith.constant 2.000000e-01 : f32
        %mul3A_890 = vector.broadcast %mul3A_889 : f32 to vector<16xf32>
        %mul3A_891 = arith.mulf %add3A_888, %mul3A_890 : vector<16xf32>
        %swap3A_892 = arith.index_cast %scan3A_258 : i32 to index
        %swap3A_893 = arith.constant 240 : index
        %swap3A_894 = tpu.vector_load %arg6[%swap3A_892, %swap3A_893] {strides = array<i32>} : memref<32x256xf32, #tpu.memory_space<vmem>>, vector<1x16xf32>,
        %swap3A_895 = vector.shape_cast %swap3A_894 : vector<1x16xf32> to vector<16xf32>
        %swap3A_896 = vector.shape_cast %mul3A_891 : vector<16xf32> to vector<1x16xf32>
        tpu.vector_store %arg6[%swap3A_892, %swap3A_893], %swap3A_896 {strides = array<i32>} : memref<32x256xf32, #tpu.memory_space<vmem>>, vector<1x16xf32>,
      }
      %scan3A_124 = arith.constant 32 : i32
      %mul3A_125 = arith.constant 40 : i32
      %mul3A_126 = arith.muli %add3A, %mul3A_125 : i32
      %add3A_127 = arith.addi %mul3A_126, %add3A_110 : i32
      %jit3A_128 = arith.constant 20 : i32
      %div3A_129 = arith.divsi %add3A_127, %jit3A_128 : i32
      %sign3A_130 = arith.constant 0 : i32
      %sign3A_131 = arith.cmpi sgt, %add3A_127, %sign3A_130 : i32
      %sign3A_132 = arith.extui %sign3A_131 : i1 to i32
      %sign3A_133 = arith.constant 0 : i32
      %sign3A_134 = arith.cmpi slt, %add3A_127, %sign3A_133 : i32
      %sign3A_135 = arith.extui %sign3A_134 : i1 to i32
      %sign3A_136 = arith.subi %sign3A_132, %sign3A_135 : i32
      %sign3A_137 = arith.constant 0 : i32
      %sign3A_138 = arith.cmpi sgt, %jit3A_128, %sign3A_137 : i32
      %sign3A_139 = arith.extui %sign3A_138 : i1 to i32
      %sign3A_140 = arith.constant 0 : i32
      %sign3A_141 = arith.cmpi slt, %jit3A_128, %sign3A_140 : i32
      %sign3A_142 = arith.extui %sign3A_141 : i1 to i32
      %sign3A_143 = arith.subi %sign3A_139, %sign3A_142 : i32
      %ne3A_144 = arith.cmpi ne, %sign3A_136, %sign3A_143 : i32
      %rem3A_145 = arith.remsi %add3A_127, %jit3A_128 : i32
      %ne3A_146 = arith.constant 0 : i32
      %ne3A_147 = arith.cmpi ne, %rem3A_145, %ne3A_146 : i32
      %and3A_148 = arith.andi %ne3A_144, %ne3A_147 : i1
      %sub3A_149 = arith.constant 1 : i32
      %sub3A_150 = arith.subi %div3A_129, %sub3A_149 : i32
      %select_n3A_151 = arith.select %and3A_148, %sub3A_150, %div3A_129 : i32
      %jit3A_152 = arith.constant 20 : i32
      %eq3A_153 = arith.constant 0 : i32
      %eq3A_154 = arith.cmpi eq, %jit3A_152, %eq3A_153 : i32
      %jit3A_155 = arith.constant 1 : i32
      %select_n3A_156 = arith.select %eq3A_154, %jit3A_155, %jit3A_152 : i32
      %rem3A_157 = arith.remsi %add3A_127, %select_n3A_156 : i32
      %ne3A_158 = arith.constant 0 : i32
      %ne3A_159 = arith.cmpi ne, %rem3A_157, %ne3A_158 : i32
      %lt3A_160 = arith.constant 0 : i32
      %lt3A_161 = arith.cmpi slt, %rem3A_157, %lt3A_160 : i32
      %lt3A_162 = arith.constant 0 : i32
      %lt3A_163 = arith.cmpi slt, %select_n3A_156, %lt3A_162 : i32
      %ne3A_164 = arith.xori %lt3A_161, %lt3A_163 : i1
      %and3A_165 = arith.andi %ne3A_164, %ne3A_159 : i1
      %add3A_166 = arith.addi %rem3A_157, %select_n3A_156 : i32
      %select_n3A_167 = arith.select %and3A_165, %add3A_166, %rem3A_157 : i32
      %mul3A_168 = arith.constant 256 : i32
      %mul3A_169 = arith.muli %select_n3A_151, %mul3A_168 : i32
      %mul3A_170 = arith.constant 32 : i32
      %mul3A_171 = arith.muli %mul3A_170, %select_n3A_167 : i32
      %dma_start3A_172 = tpu.memref_slice %arg3[%mul3A_171, %mul3A_169] : memref<640x16384xf32, #tpu.memory_space<hbm>> -> memref<32x256xf32, #tpu.memory_space<hbm>>
      %dma_start3A_173 = tpu.memref_slice %arg3[%mul3A_171, %mul3A_169] : memref<640x16384xf32, #tpu.memory_space<hbm>> -> memref<32x256xf32, #tpu.memory_space<hbm>>
      tpu.enqueue_dma source(%arg6 : memref<32x256xf32, #tpu.memory_space<vmem>>) target(%dma_start3A_173 : memref<32x256xf32, #tpu.memory_space<hbm>>) target_semaphore(%arg10 : memref<!tpu.dma_semaphore, #tpu.memory_space<semaphore_mem>>)
      %add3A_174 = arith.constant 2 : i32
      %add3A_175 = arith.addi %add3A_110, %add3A_174 : i32
      %lt3A_176 = arith.constant 40 : i32
      %lt3A_177 = arith.cmpi slt, %add3A_175, %lt3A_176 : i32
      %convert_element_type3A_178 = arith.extui %lt3A_177 : i1 to i32
      %cond3A_179 = arith.constant 0 : i32
      %cond3A_180 = arith.cmpi ne, %convert_element_type3A_178, %cond3A_179 : i32
      scf.if %cond3A_180 {
        %add3A_258 = arith.constant 2 : i32
        %add3A_259 = arith.addi %add3A_110, %add3A_258 : i32
        %mul3A_260 = arith.constant 40 : i32
        %mul3A_261 = arith.muli %add3A, %mul3A_260 : i32
        %add3A_262 = arith.addi %mul3A_261, %add3A_259 : i32
        %jit3A_263 = arith.constant 20 : i32
        %div3A_264 = arith.divsi %add3A_262, %jit3A_263 : i32
        %sign3A_265 = arith.constant 0 : i32
        %sign3A_266 = arith.cmpi sgt, %add3A_262, %sign3A_265 : i32
        %sign3A_267 = arith.extui %sign3A_266 : i1 to i32
        %sign3A_268 = arith.constant 0 : i32
        %sign3A_269 = arith.cmpi slt, %add3A_262, %sign3A_268 : i32
        %sign3A_270 = arith.extui %sign3A_269 : i1 to i32
        %sign3A_271 = arith.subi %sign3A_267, %sign3A_270 : i32
        %sign3A_272 = arith.constant 0 : i32
        %sign3A_273 = arith.cmpi sgt, %jit3A_263, %sign3A_272 : i32
        %sign3A_274 = arith.extui %sign3A_273 : i1 to i32
        %sign3A_275 = arith.constant 0 : i32
        %sign3A_276 = arith.cmpi slt, %jit3A_263, %sign3A_275 : i32
        %sign3A_277 = arith.extui %sign3A_276 : i1 to i32
        %sign3A_278 = arith.subi %sign3A_274, %sign3A_277 : i32
        %ne3A_279 = arith.cmpi ne, %sign3A_271, %sign3A_278 : i32
        %rem3A_280 = arith.remsi %add3A_262, %jit3A_263 : i32
        %ne3A_281 = arith.constant 0 : i32
        %ne3A_282 = arith.cmpi ne, %rem3A_280, %ne3A_281 : i32
        %and3A_283 = arith.andi %ne3A_279, %ne3A_282 : i1
        %sub3A_284 = arith.constant 1 : i32
        %sub3A_285 = arith.subi %div3A_264, %sub3A_284 : i32
        %select_n3A_286 = arith.select %and3A_283, %sub3A_285, %div3A_264 : i32
        %jit3A_287 = arith.constant 20 : i32
        %eq3A_288 = arith.constant 0 : i32
        %eq3A_289 = arith.cmpi eq, %jit3A_287, %eq3A_288 : i32
        %jit3A_290 = arith.constant 1 : i32
        %select_n3A_291 = arith.select %eq3A_289, %jit3A_290, %jit3A_287 : i32
        %rem3A_292 = arith.remsi %add3A_262, %select_n3A_291 : i32
        %ne3A_293 = arith.constant 0 : i32
        %ne3A_294 = arith.cmpi ne, %rem3A_292, %ne3A_293 : i32
        %lt3A_295 = arith.constant 0 : i32
        %lt3A_296 = arith.cmpi slt, %rem3A_292, %lt3A_295 : i32
        %lt3A_297 = arith.constant 0 : i32
        %lt3A_298 = arith.cmpi slt, %select_n3A_291, %lt3A_297 : i32
        %ne3A_299 = arith.xori %lt3A_296, %lt3A_298 : i1
        %and3A_300 = arith.andi %ne3A_299, %ne3A_294 : i1
        %add3A_301 = arith.addi %rem3A_292, %select_n3A_291 : i32
        %select_n3A_302 = arith.select %and3A_300, %add3A_301, %rem3A_292 : i32
        %mul3A_303 = arith.constant 256 : i32
        %mul3A_304 = arith.muli %select_n3A_286, %mul3A_303 : i32
        %mul3A_305 = arith.constant 160 : i32
        %mul3A_306 = arith.muli %mul3A_305, %select_n3A_302 : i32
        %dma_start3A_307 = tpu.memref_slice %arg2[%mul3A_306, %mul3A_304] : memref<3200x16384xf32, #tpu.memory_space<hbm>> -> memref<160x256xf32, #tpu.memory_space<hbm>>
        %dma_start3A_308 = tpu.memref_slice %arg2[%mul3A_306, %mul3A_304] : memref<3200x16384xf32, #tpu.memory_space<hbm>> -> memref<160x256xf32, #tpu.memory_space<hbm>>
        tpu.enqueue_dma source(%dma_start3A_308 : memref<160x256xf32, #tpu.memory_space<hbm>>) target(%arg4 : memref<160x256xf32, #tpu.memory_space<vmem>>) target_semaphore(%arg8 : memref<!tpu.dma_semaphore, #tpu.memory_space<semaphore_mem>>)
      } else {
      }
      %mul3A_181 = arith.constant 2 : i32
      %mul3A_182 = arith.muli %mul3A_181, %scan3A_106 : i32
      %add3A_183 = arith.constant 1 : i32
      %add3A_184 = arith.addi %mul3A_182, %add3A_183 : i32
      %dma_wait3A_185 = arith.constant 0 : i32
      %dma_wait3A_186 = arith.constant 0 : i32
      %dma_wait3A_187 = tpu.memref_slice %arg2[%dma_wait3A_185, %dma_wait3A_186] : memref<3200x16384xf32, #tpu.memory_space<hbm>> -> memref<160x256xf32, #tpu.memory_space<hbm>>
      %dma_wait3A_188 = arith.constant 0 : i32
      %dma_wait3A_189 = arith.constant 0 : i32
      %dma_wait3A_190 = tpu.memref_slice %arg2[%dma_wait3A_188, %dma_wait3A_189] : memref<3200x16384xf32, #tpu.memory_space<hbm>> -> memref<160x256xf32, #tpu.memory_space<hbm>>
      tpu.wait_dma2 semaphore(%arg9 : memref<!tpu.dma_semaphore, #tpu.memory_space<semaphore_mem>>) src(%dma_wait3A_190 : memref<160x256xf32, #tpu.memory_space<hbm>>) dst(%arg5 : memref<160x256xf32, #tpu.memory_space<vmem>>)
      %ge3A_191 = arith.constant 2 : i32
      %ge3A_192 = arith.cmpi sge, %add3A_184, %ge3A_191 : i32
      %convert_element_type3A_193 = arith.extui %ge3A_192 : i1 to i32
      %cond3A_194 = arith.constant 0 : i32
      %cond3A_195 = arith.cmpi ne, %convert_element_type3A_193, %cond3A_194 : i32
      scf.if %cond3A_195 {
        %dma_wait3A_258 = arith.constant 0 : i32
        %dma_wait3A_259 = arith.constant 0 : i32
        %dma_wait3A_260 = tpu.memref_slice %arg3[%dma_wait3A_258, %dma_wait3A_259] : memref<640x16384xf32, #tpu.memory_space<hbm>> -> memref<32x256xf32, #tpu.memory_space<hbm>>
        %dma_wait3A_261 = arith.constant 0 : i32
        %dma_wait3A_262 = arith.constant 0 : i32
        %dma_wait3A_263 = tpu.memref_slice %arg3[%dma_wait3A_261, %dma_wait3A_262] : memref<640x16384xf32, #tpu.memory_space<hbm>> -> memref<32x256xf32, #tpu.memory_space<hbm>>
        tpu.wait_dma2 semaphore(%arg11 : memref<!tpu.dma_semaphore, #tpu.memory_space<semaphore_mem>>) src(%arg7 : memref<32x256xf32, #tpu.memory_space<vmem>>) dst(%dma_wait3A_263 : memref<32x256xf32, #tpu.memory_space<hbm>>)
      } else {
      }
      %scan3A_196 = arith.constant 0 : i32
      %scan3A_197 = arith.constant 0 : i32
      %scan3A_198 = arith.constant 32 : i32
      %scan3A_199 = arith.addi %scan3A_197, %scan3A_198 : i32
      %scan3A_200 = arith.constant 1 : i32
      scf.for %scan3A_258 = %scan3A_197 to %scan3A_199 step %scan3A_200  : i32 {
        %get3A = arith.index_cast %scan3A_258 : i32 to index
        %get3A_259 = arith.constant 0 : index
        %get3A_260 = tpu.vector_load %arg5[%get3A, %get3A_259] {strides = array<i32>} : memref<160x256xf32, #tpu.memory_space<vmem>>, vector<1x16xf32>,
        %get3A_261 = vector.shape_cast %get3A_260 : vector<1x16xf32> to vector<16xf32>
        %add3A_262 = arith.constant 32 : i32
        %add3A_263 = arith.addi %add3A_262, %scan3A_258 : i32
        %get3A_264 = arith.index_cast %add3A_263 : i32 to index
        %get3A_265 = arith.constant 0 : index
        %get3A_266 = tpu.vector_load %arg5[%get3A_264, %get3A_265] {strides = array<i32>} : memref<160x256xf32, #tpu.memory_space<vmem>>, vector<1x16xf32>,
        %get3A_267 = vector.shape_cast %get3A_266 : vector<1x16xf32> to vector<16xf32>
        %add3A_268 = arith.addf %get3A_261, %get3A_267 : vector<16xf32>
        %add3A_269 = arith.constant 64 : i32
        %add3A_270 = arith.addi %add3A_269, %scan3A_258 : i32
        %get3A_271 = arith.index_cast %add3A_270 : i32 to index
        %get3A_272 = arith.constant 0 : index
        %get3A_273 = tpu.vector_load %arg5[%get3A_271, %get3A_272] {strides = array<i32>} : memref<160x256xf32, #tpu.memory_space<vmem>>, vector<1x16xf32>,
        %get3A_274 = vector.shape_cast %get3A_273 : vector<1x16xf32> to vector<16xf32>
        %add3A_275 = arith.addf %add3A_268, %get3A_274 : vector<16xf32>
        %add3A_276 = arith.constant 96 : i32
        %add3A_277 = arith.addi %add3A_276, %scan3A_258 : i32
        %get3A_278 = arith.index_cast %add3A_277 : i32 to index
        %get3A_279 = arith.constant 0 : index
        %get3A_280 = tpu.vector_load %arg5[%get3A_278, %get3A_279] {strides = array<i32>} : memref<160x256xf32, #tpu.memory_space<vmem>>, vector<1x16xf32>,
        %get3A_281 = vector.shape_cast %get3A_280 : vector<1x16xf32> to vector<16xf32>
        %add3A_282 = arith.addf %add3A_275, %get3A_281 : vector<16xf32>
        %add3A_283 = arith.constant 128 : i32
        %add3A_284 = arith.addi %add3A_283, %scan3A_258 : i32
        %get3A_285 = arith.index_cast %add3A_284 : i32 to index
        %get3A_286 = arith.constant 0 : index
        %get3A_287 = tpu.vector_load %arg5[%get3A_285, %get3A_286] {strides = array<i32>} : memref<160x256xf32, #tpu.memory_space<vmem>>, vector<1x16xf32>,
        %get3A_288 = vector.shape_cast %get3A_287 : vector<1x16xf32> to vector<16xf32>
        %add3A_289 = arith.addf %add3A_282, %get3A_288 : vector<16xf32>
        %mul3A_290 = arith.constant 2.000000e-01 : f32
        %mul3A_291 = vector.broadcast %mul3A_290 : f32 to vector<16xf32>
        %mul3A_292 = arith.mulf %add3A_289, %mul3A_291 : vector<16xf32>
        %swap3A = arith.index_cast %scan3A_258 : i32 to index
        %swap3A_293 = arith.constant 0 : index
        %swap3A_294 = tpu.vector_load %arg7[%swap3A, %swap3A_293] {strides = array<i32>} : memref<32x256xf32, #tpu.memory_space<vmem>>, vector<1x16xf32>,
        %swap3A_295 = vector.shape_cast %swap3A_294 : vector<1x16xf32> to vector<16xf32>
        %swap3A_296 = vector.shape_cast %mul3A_292 : vector<16xf32> to vector<1x16xf32>
        tpu.vector_store %arg7[%swap3A, %swap3A_293], %swap3A_296 {strides = array<i32>} : memref<32x256xf32, #tpu.memory_space<vmem>>, vector<1x16xf32>,
        %get3A_297 = arith.index_cast %scan3A_258 : i32 to index
        %get3A_298 = arith.constant 16 : index
        %get3A_299 = tpu.vector_load %arg5[%get3A_297, %get3A_298] {strides = array<i32>} : memref<160x256xf32, #tpu.memory_space<vmem>>, vector<1x16xf32>,
        %get3A_300 = vector.shape_cast %get3A_299 : vector<1x16xf32> to vector<16xf32>
        %add3A_301 = arith.constant 32 : i32
        %add3A_302 = arith.addi %add3A_301, %scan3A_258 : i32
        %get3A_303 = arith.index_cast %add3A_302 : i32 to index
        %get3A_304 = arith.constant 16 : index
        %get3A_305 = tpu.vector_load %arg5[%get3A_303, %get3A_304] {strides = array<i32>} : memref<160x256xf32, #tpu.memory_space<vmem>>, vector<1x16xf32>,
        %get3A_306 = vector.shape_cast %get3A_305 : vector<1x16xf32> to vector<16xf32>
        %add3A_307 = arith.addf %get3A_300, %get3A_306 : vector<16xf32>
        %add3A_308 = arith.constant 64 : i32
        %add3A_309 = arith.addi %add3A_308, %scan3A_258 : i32
        %get3A_310 = arith.index_cast %add3A_309 : i32 to index
        %get3A_311 = arith.constant 16 : index
        %get3A_312 = tpu.vector_load %arg5[%get3A_310, %get3A_311] {strides = array<i32>} : memref<160x256xf32, #tpu.memory_space<vmem>>, vector<1x16xf32>,
        %get3A_313 = vector.shape_cast %get3A_312 : vector<1x16xf32> to vector<16xf32>
        %add3A_314 = arith.addf %add3A_307, %get3A_313 : vector<16xf32>
        %add3A_315 = arith.constant 96 : i32
        %add3A_316 = arith.addi %add3A_315, %scan3A_258 : i32
        %get3A_317 = arith.index_cast %add3A_316 : i32 to index
        %get3A_318 = arith.constant 16 : index
        %get3A_319 = tpu.vector_load %arg5[%get3A_317, %get3A_318] {strides = array<i32>} : memref<160x256xf32, #tpu.memory_space<vmem>>, vector<1x16xf32>,
        %get3A_320 = vector.shape_cast %get3A_319 : vector<1x16xf32> to vector<16xf32>
        %add3A_321 = arith.addf %add3A_314, %get3A_320 : vector<16xf32>
        %add3A_322 = arith.constant 128 : i32
        %add3A_323 = arith.addi %add3A_322, %scan3A_258 : i32
        %get3A_324 = arith.index_cast %add3A_323 : i32 to index
        %get3A_325 = arith.constant 16 : index
        %get3A_326 = tpu.vector_load %arg5[%get3A_324, %get3A_325] {strides = array<i32>} : memref<160x256xf32, #tpu.memory_space<vmem>>, vector<1x16xf32>,
        %get3A_327 = vector.shape_cast %get3A_326 : vector<1x16xf32> to vector<16xf32>
        %add3A_328 = arith.addf %add3A_321, %get3A_327 : vector<16xf32>
        %mul3A_329 = arith.constant 2.000000e-01 : f32
        %mul3A_330 = vector.broadcast %mul3A_329 : f32 to vector<16xf32>
        %mul3A_331 = arith.mulf %add3A_328, %mul3A_330 : vector<16xf32>
        %swap3A_332 = arith.index_cast %scan3A_258 : i32 to index
        %swap3A_333 = arith.constant 16 : index
        %swap3A_334 = tpu.vector_load %arg7[%swap3A_332, %swap3A_333] {strides = array<i32>} : memref<32x256xf32, #tpu.memory_space<vmem>>, vector<1x16xf32>,
        %swap3A_335 = vector.shape_cast %swap3A_334 : vector<1x16xf32> to vector<16xf32>
        %swap3A_336 = vector.shape_cast %mul3A_331 : vector<16xf32> to vector<1x16xf32>
        tpu.vector_store %arg7[%swap3A_332, %swap3A_333], %swap3A_336 {strides = array<i32>} : memref<32x256xf32, #tpu.memory_space<vmem>>, vector<1x16xf32>,
        %get3A_337 = arith.index_cast %scan3A_258 : i32 to index
        %get3A_338 = arith.constant 32 : index
        %get3A_339 = tpu.vector_load %arg5[%get3A_337, %get3A_338] {strides = array<i32>} : memref<160x256xf32, #tpu.memory_space<vmem>>, vector<1x16xf32>,
        %get3A_340 = vector.shape_cast %get3A_339 : vector<1x16xf32> to vector<16xf32>
        %add3A_341 = arith.constant 32 : i32
        %add3A_342 = arith.addi %add3A_341, %scan3A_258 : i32
        %get3A_343 = arith.index_cast %add3A_342 : i32 to index
        %get3A_344 = arith.constant 32 : index
        %get3A_345 = tpu.vector_load %arg5[%get3A_343, %get3A_344] {strides = array<i32>} : memref<160x256xf32, #tpu.memory_space<vmem>>, vector<1x16xf32>,
        %get3A_346 = vector.shape_cast %get3A_345 : vector<1x16xf32> to vector<16xf32>
        %add3A_347 = arith.addf %get3A_340, %get3A_346 : vector<16xf32>
        %add3A_348 = arith.constant 64 : i32
        %add3A_349 = arith.addi %add3A_348, %scan3A_258 : i32
        %get3A_350 = arith.index_cast %add3A_349 : i32 to index
        %get3A_351 = arith.constant 32 : index
        %get3A_352 = tpu.vector_load %arg5[%get3A_350, %get3A_351] {strides = array<i32>} : memref<160x256xf32, #tpu.memory_space<vmem>>, vector<1x16xf32>,
        %get3A_353 = vector.shape_cast %get3A_352 : vector<1x16xf32> to vector<16xf32>
        %add3A_354 = arith.addf %add3A_347, %get3A_353 : vector<16xf32>
        %add3A_355 = arith.constant 96 : i32
        %add3A_356 = arith.addi %add3A_355, %scan3A_258 : i32
        %get3A_357 = arith.index_cast %add3A_356 : i32 to index
        %get3A_358 = arith.constant 32 : index
        %get3A_359 = tpu.vector_load %arg5[%get3A_357, %get3A_358] {strides = array<i32>} : memref<160x256xf32, #tpu.memory_space<vmem>>, vector<1x16xf32>,
        %get3A_360 = vector.shape_cast %get3A_359 : vector<1x16xf32> to vector<16xf32>
        %add3A_361 = arith.addf %add3A_354, %get3A_360 : vector<16xf32>
        %add3A_362 = arith.constant 128 : i32
        %add3A_363 = arith.addi %add3A_362, %scan3A_258 : i32
        %get3A_364 = arith.index_cast %add3A_363 : i32 to index
        %get3A_365 = arith.constant 32 : index
        %get3A_366 = tpu.vector_load %arg5[%get3A_364, %get3A_365] {strides = array<i32>} : memref<160x256xf32, #tpu.memory_space<vmem>>, vector<1x16xf32>,
        %get3A_367 = vector.shape_cast %get3A_366 : vector<1x16xf32> to vector<16xf32>
        %add3A_368 = arith.addf %add3A_361, %get3A_367 : vector<16xf32>
        %mul3A_369 = arith.constant 2.000000e-01 : f32
        %mul3A_370 = vector.broadcast %mul3A_369 : f32 to vector<16xf32>
        %mul3A_371 = arith.mulf %add3A_368, %mul3A_370 : vector<16xf32>
        %swap3A_372 = arith.index_cast %scan3A_258 : i32 to index
        %swap3A_373 = arith.constant 32 : index
        %swap3A_374 = tpu.vector_load %arg7[%swap3A_372, %swap3A_373] {strides = array<i32>} : memref<32x256xf32, #tpu.memory_space<vmem>>, vector<1x16xf32>,
        %swap3A_375 = vector.shape_cast %swap3A_374 : vector<1x16xf32> to vector<16xf32>
        %swap3A_376 = vector.shape_cast %mul3A_371 : vector<16xf32> to vector<1x16xf32>
        tpu.vector_store %arg7[%swap3A_372, %swap3A_373], %swap3A_376 {strides = array<i32>} : memref<32x256xf32, #tpu.memory_space<vmem>>, vector<1x16xf32>,
        %get3A_377 = arith.index_cast %scan3A_258 : i32 to index
        %get3A_378 = arith.constant 48 : index
        %get3A_379 = tpu.vector_load %arg5[%get3A_377, %get3A_378] {strides = array<i32>} : memref<160x256xf32, #tpu.memory_space<vmem>>, vector<1x16xf32>,
        %get3A_380 = vector.shape_cast %get3A_379 : vector<1x16xf32> to vector<16xf32>
        %add3A_381 = arith.constant 32 : i32
        %add3A_382 = arith.addi %add3A_381, %scan3A_258 : i32
        %get3A_383 = arith.index_cast %add3A_382 : i32 to index
        %get3A_384 = arith.constant 48 : index
        %get3A_385 = tpu.vector_load %arg5[%get3A_383, %get3A_384] {strides = array<i32>} : memref<160x256xf32, #tpu.memory_space<vmem>>, vector<1x16xf32>,
        %get3A_386 = vector.shape_cast %get3A_385 : vector<1x16xf32> to vector<16xf32>
        %add3A_387 = arith.addf %get3A_380, %get3A_386 : vector<16xf32>
        %add3A_388 = arith.constant 64 : i32
        %add3A_389 = arith.addi %add3A_388, %scan3A_258 : i32
        %get3A_390 = arith.index_cast %add3A_389 : i32 to index
        %get3A_391 = arith.constant 48 : index
        %get3A_392 = tpu.vector_load %arg5[%get3A_390, %get3A_391] {strides = array<i32>} : memref<160x256xf32, #tpu.memory_space<vmem>>, vector<1x16xf32>,
        %get3A_393 = vector.shape_cast %get3A_392 : vector<1x16xf32> to vector<16xf32>
        %add3A_394 = arith.addf %add3A_387, %get3A_393 : vector<16xf32>
        %add3A_395 = arith.constant 96 : i32
        %add3A_396 = arith.addi %add3A_395, %scan3A_258 : i32
        %get3A_397 = arith.index_cast %add3A_396 : i32 to index
        %get3A_398 = arith.constant 48 : index
        %get3A_399 = tpu.vector_load %arg5[%get3A_397, %get3A_398] {strides = array<i32>} : memref<160x256xf32, #tpu.memory_space<vmem>>, vector<1x16xf32>,
        %get3A_400 = vector.shape_cast %get3A_399 : vector<1x16xf32> to vector<16xf32>
        %add3A_401 = arith.addf %add3A_394, %get3A_400 : vector<16xf32>
        %add3A_402 = arith.constant 128 : i32
        %add3A_403 = arith.addi %add3A_402, %scan3A_258 : i32
        %get3A_404 = arith.index_cast %add3A_403 : i32 to index
        %get3A_405 = arith.constant 48 : index
        %get3A_406 = tpu.vector_load %arg5[%get3A_404, %get3A_405] {strides = array<i32>} : memref<160x256xf32, #tpu.memory_space<vmem>>, vector<1x16xf32>,
        %get3A_407 = vector.shape_cast %get3A_406 : vector<1x16xf32> to vector<16xf32>
        %add3A_408 = arith.addf %add3A_401, %get3A_407 : vector<16xf32>
        %mul3A_409 = arith.constant 2.000000e-01 : f32
        %mul3A_410 = vector.broadcast %mul3A_409 : f32 to vector<16xf32>
        %mul3A_411 = arith.mulf %add3A_408, %mul3A_410 : vector<16xf32>
        %swap3A_412 = arith.index_cast %scan3A_258 : i32 to index
        %swap3A_413 = arith.constant 48 : index
        %swap3A_414 = tpu.vector_load %arg7[%swap3A_412, %swap3A_413] {strides = array<i32>} : memref<32x256xf32, #tpu.memory_space<vmem>>, vector<1x16xf32>,
        %swap3A_415 = vector.shape_cast %swap3A_414 : vector<1x16xf32> to vector<16xf32>
        %swap3A_416 = vector.shape_cast %mul3A_411 : vector<16xf32> to vector<1x16xf32>
        tpu.vector_store %arg7[%swap3A_412, %swap3A_413], %swap3A_416 {strides = array<i32>} : memref<32x256xf32, #tpu.memory_space<vmem>>, vector<1x16xf32>,
        %get3A_417 = arith.index_cast %scan3A_258 : i32 to index
        %get3A_418 = arith.constant 64 : index
        %get3A_419 = tpu.vector_load %arg5[%get3A_417, %get3A_418] {strides = array<i32>} : memref<160x256xf32, #tpu.memory_space<vmem>>, vector<1x16xf32>,
        %get3A_420 = vector.shape_cast %get3A_419 : vector<1x16xf32> to vector<16xf32>
        %add3A_421 = arith.constant 32 : i32
        %add3A_422 = arith.addi %add3A_421, %scan3A_258 : i32
        %get3A_423 = arith.index_cast %add3A_422 : i32 to index
        %get3A_424 = arith.constant 64 : index
        %get3A_425 = tpu.vector_load %arg5[%get3A_423, %get3A_424] {strides = array<i32>} : memref<160x256xf32, #tpu.memory_space<vmem>>, vector<1x16xf32>,
        %get3A_426 = vector.shape_cast %get3A_425 : vector<1x16xf32> to vector<16xf32>
        %add3A_427 = arith.addf %get3A_420, %get3A_426 : vector<16xf32>
        %add3A_428 = arith.constant 64 : i32
        %add3A_429 = arith.addi %add3A_428, %scan3A_258 : i32
        %get3A_430 = arith.index_cast %add3A_429 : i32 to index
        %get3A_431 = arith.constant 64 : index
        %get3A_432 = tpu.vector_load %arg5[%get3A_430, %get3A_431] {strides = array<i32>} : memref<160x256xf32, #tpu.memory_space<vmem>>, vector<1x16xf32>,
        %get3A_433 = vector.shape_cast %get3A_432 : vector<1x16xf32> to vector<16xf32>
        %add3A_434 = arith.addf %add3A_427, %get3A_433 : vector<16xf32>
        %add3A_435 = arith.constant 96 : i32
        %add3A_436 = arith.addi %add3A_435, %scan3A_258 : i32
        %get3A_437 = arith.index_cast %add3A_436 : i32 to index
        %get3A_438 = arith.constant 64 : index
        %get3A_439 = tpu.vector_load %arg5[%get3A_437, %get3A_438] {strides = array<i32>} : memref<160x256xf32, #tpu.memory_space<vmem>>, vector<1x16xf32>,
        %get3A_440 = vector.shape_cast %get3A_439 : vector<1x16xf32> to vector<16xf32>
        %add3A_441 = arith.addf %add3A_434, %get3A_440 : vector<16xf32>
        %add3A_442 = arith.constant 128 : i32
        %add3A_443 = arith.addi %add3A_442, %scan3A_258 : i32
        %get3A_444 = arith.index_cast %add3A_443 : i32 to index
        %get3A_445 = arith.constant 64 : index
        %get3A_446 = tpu.vector_load %arg5[%get3A_444, %get3A_445] {strides = array<i32>} : memref<160x256xf32, #tpu.memory_space<vmem>>, vector<1x16xf32>,
        %get3A_447 = vector.shape_cast %get3A_446 : vector<1x16xf32> to vector<16xf32>
        %add3A_448 = arith.addf %add3A_441, %get3A_447 : vector<16xf32>
        %mul3A_449 = arith.constant 2.000000e-01 : f32
        %mul3A_450 = vector.broadcast %mul3A_449 : f32 to vector<16xf32>
        %mul3A_451 = arith.mulf %add3A_448, %mul3A_450 : vector<16xf32>
        %swap3A_452 = arith.index_cast %scan3A_258 : i32 to index
        %swap3A_453 = arith.constant 64 : index
        %swap3A_454 = tpu.vector_load %arg7[%swap3A_452, %swap3A_453] {strides = array<i32>} : memref<32x256xf32, #tpu.memory_space<vmem>>, vector<1x16xf32>,
        %swap3A_455 = vector.shape_cast %swap3A_454 : vector<1x16xf32> to vector<16xf32>
        %swap3A_456 = vector.shape_cast %mul3A_451 : vector<16xf32> to vector<1x16xf32>
        tpu.vector_store %arg7[%swap3A_452, %swap3A_453], %swap3A_456 {strides = array<i32>} : memref<32x256xf32, #tpu.memory_space<vmem>>, vector<1x16xf32>,
        %get3A_457 = arith.index_cast %scan3A_258 : i32 to index
        %get3A_458 = arith.constant 80 : index
        %get3A_459 = tpu.vector_load %arg5[%get3A_457, %get3A_458] {strides = array<i32>} : memref<160x256xf32, #tpu.memory_space<vmem>>, vector<1x16xf32>,
        %get3A_460 = vector.shape_cast %get3A_459 : vector<1x16xf32> to vector<16xf32>
        %add3A_461 = arith.constant 32 : i32
        %add3A_462 = arith.addi %add3A_461, %scan3A_258 : i32
        %get3A_463 = arith.index_cast %add3A_462 : i32 to index
        %get3A_464 = arith.constant 80 : index
        %get3A_465 = tpu.vector_load %arg5[%get3A_463, %get3A_464] {strides = array<i32>} : memref<160x256xf32, #tpu.memory_space<vmem>>, vector<1x16xf32>,
        %get3A_466 = vector.shape_cast %get3A_465 : vector<1x16xf32> to vector<16xf32>
        %add3A_467 = arith.addf %get3A_460, %get3A_466 : vector<16xf32>
        %add3A_468 = arith.constant 64 : i32
        %add3A_469 = arith.addi %add3A_468, %scan3A_258 : i32
        %get3A_470 = arith.index_cast %add3A_469 : i32 to index
        %get3A_471 = arith.constant 80 : index
        %get3A_472 = tpu.vector_load %arg5[%get3A_470, %get3A_471] {strides = array<i32>} : memref<160x256xf32, #tpu.memory_space<vmem>>, vector<1x16xf32>,
        %get3A_473 = vector.shape_cast %get3A_472 : vector<1x16xf32> to vector<16xf32>
        %add3A_474 = arith.addf %add3A_467, %get3A_473 : vector<16xf32>
        %add3A_475 = arith.constant 96 : i32
        %add3A_476 = arith.addi %add3A_475, %scan3A_258 : i32
        %get3A_477 = arith.index_cast %add3A_476 : i32 to index
        %get3A_478 = arith.constant 80 : index
        %get3A_479 = tpu.vector_load %arg5[%get3A_477, %get3A_478] {strides = array<i32>} : memref<160x256xf32, #tpu.memory_space<vmem>>, vector<1x16xf32>,
        %get3A_480 = vector.shape_cast %get3A_479 : vector<1x16xf32> to vector<16xf32>
        %add3A_481 = arith.addf %add3A_474, %get3A_480 : vector<16xf32>
        %add3A_482 = arith.constant 128 : i32
        %add3A_483 = arith.addi %add3A_482, %scan3A_258 : i32
        %get3A_484 = arith.index_cast %add3A_483 : i32 to index
        %get3A_485 = arith.constant 80 : index
        %get3A_486 = tpu.vector_load %arg5[%get3A_484, %get3A_485] {strides = array<i32>} : memref<160x256xf32, #tpu.memory_space<vmem>>, vector<1x16xf32>,
        %get3A_487 = vector.shape_cast %get3A_486 : vector<1x16xf32> to vector<16xf32>
        %add3A_488 = arith.addf %add3A_481, %get3A_487 : vector<16xf32>
        %mul3A_489 = arith.constant 2.000000e-01 : f32
        %mul3A_490 = vector.broadcast %mul3A_489 : f32 to vector<16xf32>
        %mul3A_491 = arith.mulf %add3A_488, %mul3A_490 : vector<16xf32>
        %swap3A_492 = arith.index_cast %scan3A_258 : i32 to index
        %swap3A_493 = arith.constant 80 : index
        %swap3A_494 = tpu.vector_load %arg7[%swap3A_492, %swap3A_493] {strides = array<i32>} : memref<32x256xf32, #tpu.memory_space<vmem>>, vector<1x16xf32>,
        %swap3A_495 = vector.shape_cast %swap3A_494 : vector<1x16xf32> to vector<16xf32>
        %swap3A_496 = vector.shape_cast %mul3A_491 : vector<16xf32> to vector<1x16xf32>
        tpu.vector_store %arg7[%swap3A_492, %swap3A_493], %swap3A_496 {strides = array<i32>} : memref<32x256xf32, #tpu.memory_space<vmem>>, vector<1x16xf32>,
        %get3A_497 = arith.index_cast %scan3A_258 : i32 to index
        %get3A_498 = arith.constant 96 : index
        %get3A_499 = tpu.vector_load %arg5[%get3A_497, %get3A_498] {strides = array<i32>} : memref<160x256xf32, #tpu.memory_space<vmem>>, vector<1x16xf32>,
        %get3A_500 = vector.shape_cast %get3A_499 : vector<1x16xf32> to vector<16xf32>
        %add3A_501 = arith.constant 32 : i32
        %add3A_502 = arith.addi %add3A_501, %scan3A_258 : i32
        %get3A_503 = arith.index_cast %add3A_502 : i32 to index
        %get3A_504 = arith.constant 96 : index
        %get3A_505 = tpu.vector_load %arg5[%get3A_503, %get3A_504] {strides = array<i32>} : memref<160x256xf32, #tpu.memory_space<vmem>>, vector<1x16xf32>,
        %get3A_506 = vector.shape_cast %get3A_505 : vector<1x16xf32> to vector<16xf32>
        %add3A_507 = arith.addf %get3A_500, %get3A_506 : vector<16xf32>
        %add3A_508 = arith.constant 64 : i32
        %add3A_509 = arith.addi %add3A_508, %scan3A_258 : i32
        %get3A_510 = arith.index_cast %add3A_509 : i32 to index
        %get3A_511 = arith.constant 96 : index
        %get3A_512 = tpu.vector_load %arg5[%get3A_510, %get3A_511] {strides = array<i32>} : memref<160x256xf32, #tpu.memory_space<vmem>>, vector<1x16xf32>,
        %get3A_513 = vector.shape_cast %get3A_512 : vector<1x16xf32> to vector<16xf32>
        %add3A_514 = arith.addf %add3A_507, %get3A_513 : vector<16xf32>
        %add3A_515 = arith.constant 96 : i32
        %add3A_516 = arith.addi %add3A_515, %scan3A_258 : i32
        %get3A_517 = arith.index_cast %add3A_516 : i32 to index
        %get3A_518 = arith.constant 96 : index
        %get3A_519 = tpu.vector_load %arg5[%get3A_517, %get3A_518] {strides = array<i32>} : memref<160x256xf32, #tpu.memory_space<vmem>>, vector<1x16xf32>,
        %get3A_520 = vector.shape_cast %get3A_519 : vector<1x16xf32> to vector<16xf32>
        %add3A_521 = arith.addf %add3A_514, %get3A_520 : vector<16xf32>
        %add3A_522 = arith.constant 128 : i32
        %add3A_523 = arith.addi %add3A_522, %scan3A_258 : i32
        %get3A_524 = arith.index_cast %add3A_523 : i32 to index
        %get3A_525 = arith.constant 96 : index
        %get3A_526 = tpu.vector_load %arg5[%get3A_524, %get3A_525] {strides = array<i32>} : memref<160x256xf32, #tpu.memory_space<vmem>>, vector<1x16xf32>,
        %get3A_527 = vector.shape_cast %get3A_526 : vector<1x16xf32> to vector<16xf32>
        %add3A_528 = arith.addf %add3A_521, %get3A_527 : vector<16xf32>
        %mul3A_529 = arith.constant 2.000000e-01 : f32
        %mul3A_530 = vector.broadcast %mul3A_529 : f32 to vector<16xf32>
        %mul3A_531 = arith.mulf %add3A_528, %mul3A_530 : vector<16xf32>
        %swap3A_532 = arith.index_cast %scan3A_258 : i32 to index
        %swap3A_533 = arith.constant 96 : index
        %swap3A_534 = tpu.vector_load %arg7[%swap3A_532, %swap3A_533] {strides = array<i32>} : memref<32x256xf32, #tpu.memory_space<vmem>>, vector<1x16xf32>,
        %swap3A_535 = vector.shape_cast %swap3A_534 : vector<1x16xf32> to vector<16xf32>
        %swap3A_536 = vector.shape_cast %mul3A_531 : vector<16xf32> to vector<1x16xf32>
        tpu.vector_store %arg7[%swap3A_532, %swap3A_533], %swap3A_536 {strides = array<i32>} : memref<32x256xf32, #tpu.memory_space<vmem>>, vector<1x16xf32>,
        %get3A_537 = arith.index_cast %scan3A_258 : i32 to index
        %get3A_538 = arith.constant 112 : index
        %get3A_539 = tpu.vector_load %arg5[%get3A_537, %get3A_538] {strides = array<i32>} : memref<160x256xf32, #tpu.memory_space<vmem>>, vector<1x16xf32>,
        %get3A_540 = vector.shape_cast %get3A_539 : vector<1x16xf32> to vector<16xf32>
        %add3A_541 = arith.constant 32 : i32
        %add3A_542 = arith.addi %add3A_541, %scan3A_258 : i32
        %get3A_543 = arith.index_cast %add3A_542 : i32 to index
        %get3A_544 = arith.constant 112 : index
        %get3A_545 = tpu.vector_load %arg5[%get3A_543, %get3A_544] {strides = array<i32>} : memref<160x256xf32, #tpu.memory_space<vmem>>, vector<1x16xf32>,
        %get3A_546 = vector.shape_cast %get3A_545 : vector<1x16xf32> to vector<16xf32>
        %add3A_547 = arith.addf %get3A_540, %get3A_546 : vector<16xf32>
        %add3A_548 = arith.constant 64 : i32
        %add3A_549 = arith.addi %add3A_548, %scan3A_258 : i32
        %get3A_550 = arith.index_cast %add3A_549 : i32 to index
        %get3A_551 = arith.constant 112 : index
        %get3A_552 = tpu.vector_load %arg5[%get3A_550, %get3A_551] {strides = array<i32>} : memref<160x256xf32, #tpu.memory_space<vmem>>, vector<1x16xf32>,
        %get3A_553 = vector.shape_cast %get3A_552 : vector<1x16xf32> to vector<16xf32>
        %add3A_554 = arith.addf %add3A_547, %get3A_553 : vector<16xf32>
        %add3A_555 = arith.constant 96 : i32
        %add3A_556 = arith.addi %add3A_555, %scan3A_258 : i32
        %get3A_557 = arith.index_cast %add3A_556 : i32 to index
        %get3A_558 = arith.constant 112 : index
        %get3A_559 = tpu.vector_load %arg5[%get3A_557, %get3A_558] {strides = array<i32>} : memref<160x256xf32, #tpu.memory_space<vmem>>, vector<1x16xf32>,
        %get3A_560 = vector.shape_cast %get3A_559 : vector<1x16xf32> to vector<16xf32>
        %add3A_561 = arith.addf %add3A_554, %get3A_560 : vector<16xf32>
        %add3A_562 = arith.constant 128 : i32
        %add3A_563 = arith.addi %add3A_562, %scan3A_258 : i32
        %get3A_564 = arith.index_cast %add3A_563 : i32 to index
        %get3A_565 = arith.constant 112 : index
        %get3A_566 = tpu.vector_load %arg5[%get3A_564, %get3A_565] {strides = array<i32>} : memref<160x256xf32, #tpu.memory_space<vmem>>, vector<1x16xf32>,
        %get3A_567 = vector.shape_cast %get3A_566 : vector<1x16xf32> to vector<16xf32>
        %add3A_568 = arith.addf %add3A_561, %get3A_567 : vector<16xf32>
        %mul3A_569 = arith.constant 2.000000e-01 : f32
        %mul3A_570 = vector.broadcast %mul3A_569 : f32 to vector<16xf32>
        %mul3A_571 = arith.mulf %add3A_568, %mul3A_570 : vector<16xf32>
        %swap3A_572 = arith.index_cast %scan3A_258 : i32 to index
        %swap3A_573 = arith.constant 112 : index
        %swap3A_574 = tpu.vector_load %arg7[%swap3A_572, %swap3A_573] {strides = array<i32>} : memref<32x256xf32, #tpu.memory_space<vmem>>, vector<1x16xf32>,
        %swap3A_575 = vector.shape_cast %swap3A_574 : vector<1x16xf32> to vector<16xf32>
        %swap3A_576 = vector.shape_cast %mul3A_571 : vector<16xf32> to vector<1x16xf32>
        tpu.vector_store %arg7[%swap3A_572, %swap3A_573], %swap3A_576 {strides = array<i32>} : memref<32x256xf32, #tpu.memory_space<vmem>>, vector<1x16xf32>,
        %get3A_577 = arith.index_cast %scan3A_258 : i32 to index
        %get3A_578 = arith.constant 128 : index
        %get3A_579 = tpu.vector_load %arg5[%get3A_577, %get3A_578] {strides = array<i32>} : memref<160x256xf32, #tpu.memory_space<vmem>>, vector<1x16xf32>,
        %get3A_580 = vector.shape_cast %get3A_579 : vector<1x16xf32> to vector<16xf32>
        %add3A_581 = arith.constant 32 : i32
        %add3A_582 = arith.addi %add3A_581, %scan3A_258 : i32
        %get3A_583 = arith.index_cast %add3A_582 : i32 to index
        %get3A_584 = arith.constant 128 : index
        %get3A_585 = tpu.vector_load %arg5[%get3A_583, %get3A_584] {strides = array<i32>} : memref<160x256xf32, #tpu.memory_space<vmem>>, vector<1x16xf32>,
        %get3A_586 = vector.shape_cast %get3A_585 : vector<1x16xf32> to vector<16xf32>
        %add3A_587 = arith.addf %get3A_580, %get3A_586 : vector<16xf32>
        %add3A_588 = arith.constant 64 : i32
        %add3A_589 = arith.addi %add3A_588, %scan3A_258 : i32
        %get3A_590 = arith.index_cast %add3A_589 : i32 to index
        %get3A_591 = arith.constant 128 : index
        %get3A_592 = tpu.vector_load %arg5[%get3A_590, %get3A_591] {strides = array<i32>} : memref<160x256xf32, #tpu.memory_space<vmem>>, vector<1x16xf32>,
        %get3A_593 = vector.shape_cast %get3A_592 : vector<1x16xf32> to vector<16xf32>
        %add3A_594 = arith.addf %add3A_587, %get3A_593 : vector<16xf32>
        %add3A_595 = arith.constant 96 : i32
        %add3A_596 = arith.addi %add3A_595, %scan3A_258 : i32
        %get3A_597 = arith.index_cast %add3A_596 : i32 to index
        %get3A_598 = arith.constant 128 : index
        %get3A_599 = tpu.vector_load %arg5[%get3A_597, %get3A_598] {strides = array<i32>} : memref<160x256xf32, #tpu.memory_space<vmem>>, vector<1x16xf32>,
        %get3A_600 = vector.shape_cast %get3A_599 : vector<1x16xf32> to vector<16xf32>
        %add3A_601 = arith.addf %add3A_594, %get3A_600 : vector<16xf32>
        %add3A_602 = arith.constant 128 : i32
        %add3A_603 = arith.addi %add3A_602, %scan3A_258 : i32
        %get3A_604 = arith.index_cast %add3A_603 : i32 to index
        %get3A_605 = arith.constant 128 : index
        %get3A_606 = tpu.vector_load %arg5[%get3A_604, %get3A_605] {strides = array<i32>} : memref<160x256xf32, #tpu.memory_space<vmem>>, vector<1x16xf32>,
        %get3A_607 = vector.shape_cast %get3A_606 : vector<1x16xf32> to vector<16xf32>
        %add3A_608 = arith.addf %add3A_601, %get3A_607 : vector<16xf32>
        %mul3A_609 = arith.constant 2.000000e-01 : f32
        %mul3A_610 = vector.broadcast %mul3A_609 : f32 to vector<16xf32>
        %mul3A_611 = arith.mulf %add3A_608, %mul3A_610 : vector<16xf32>
        %swap3A_612 = arith.index_cast %scan3A_258 : i32 to index
        %swap3A_613 = arith.constant 128 : index
        %swap3A_614 = tpu.vector_load %arg7[%swap3A_612, %swap3A_613] {strides = array<i32>} : memref<32x256xf32, #tpu.memory_space<vmem>>, vector<1x16xf32>,
        %swap3A_615 = vector.shape_cast %swap3A_614 : vector<1x16xf32> to vector<16xf32>
        %swap3A_616 = vector.shape_cast %mul3A_611 : vector<16xf32> to vector<1x16xf32>
        tpu.vector_store %arg7[%swap3A_612, %swap3A_613], %swap3A_616 {strides = array<i32>} : memref<32x256xf32, #tpu.memory_space<vmem>>, vector<1x16xf32>,
        %get3A_617 = arith.index_cast %scan3A_258 : i32 to index
        %get3A_618 = arith.constant 144 : index
        %get3A_619 = tpu.vector_load %arg5[%get3A_617, %get3A_618] {strides = array<i32>} : memref<160x256xf32, #tpu.memory_space<vmem>>, vector<1x16xf32>,
        %get3A_620 = vector.shape_cast %get3A_619 : vector<1x16xf32> to vector<16xf32>
        %add3A_621 = arith.constant 32 : i32
        %add3A_622 = arith.addi %add3A_621, %scan3A_258 : i32
        %get3A_623 = arith.index_cast %add3A_622 : i32 to index
        %get3A_624 = arith.constant 144 : index
        %get3A_625 = tpu.vector_load %arg5[%get3A_623, %get3A_624] {strides = array<i32>} : memref<160x256xf32, #tpu.memory_space<vmem>>, vector<1x16xf32>,
        %get3A_626 = vector.shape_cast %get3A_625 : vector<1x16xf32> to vector<16xf32>
        %add3A_627 = arith.addf %get3A_620, %get3A_626 : vector<16xf32>
        %add3A_628 = arith.constant 64 : i32
        %add3A_629 = arith.addi %add3A_628, %scan3A_258 : i32
        %get3A_630 = arith.index_cast %add3A_629 : i32 to index
        %get3A_631 = arith.constant 144 : index
        %get3A_632 = tpu.vector_load %arg5[%get3A_630, %get3A_631] {strides = array<i32>} : memref<160x256xf32, #tpu.memory_space<vmem>>, vector<1x16xf32>,
        %get3A_633 = vector.shape_cast %get3A_632 : vector<1x16xf32> to vector<16xf32>
        %add3A_634 = arith.addf %add3A_627, %get3A_633 : vector<16xf32>
        %add3A_635 = arith.constant 96 : i32
        %add3A_636 = arith.addi %add3A_635, %scan3A_258 : i32
        %get3A_637 = arith.index_cast %add3A_636 : i32 to index
        %get3A_638 = arith.constant 144 : index
        %get3A_639 = tpu.vector_load %arg5[%get3A_637, %get3A_638] {strides = array<i32>} : memref<160x256xf32, #tpu.memory_space<vmem>>, vector<1x16xf32>,
        %get3A_640 = vector.shape_cast %get3A_639 : vector<1x16xf32> to vector<16xf32>
        %add3A_641 = arith.addf %add3A_634, %get3A_640 : vector<16xf32>
        %add3A_642 = arith.constant 128 : i32
        %add3A_643 = arith.addi %add3A_642, %scan3A_258 : i32
        %get3A_644 = arith.index_cast %add3A_643 : i32 to index
        %get3A_645 = arith.constant 144 : index
        %get3A_646 = tpu.vector_load %arg5[%get3A_644, %get3A_645] {strides = array<i32>} : memref<160x256xf32, #tpu.memory_space<vmem>>, vector<1x16xf32>,
        %get3A_647 = vector.shape_cast %get3A_646 : vector<1x16xf32> to vector<16xf32>
        %add3A_648 = arith.addf %add3A_641, %get3A_647 : vector<16xf32>
        %mul3A_649 = arith.constant 2.000000e-01 : f32
        %mul3A_650 = vector.broadcast %mul3A_649 : f32 to vector<16xf32>
        %mul3A_651 = arith.mulf %add3A_648, %mul3A_650 : vector<16xf32>
        %swap3A_652 = arith.index_cast %scan3A_258 : i32 to index
        %swap3A_653 = arith.constant 144 : index
        %swap3A_654 = tpu.vector_load %arg7[%swap3A_652, %swap3A_653] {strides = array<i32>} : memref<32x256xf32, #tpu.memory_space<vmem>>, vector<1x16xf32>,
        %swap3A_655 = vector.shape_cast %swap3A_654 : vector<1x16xf32> to vector<16xf32>
        %swap3A_656 = vector.shape_cast %mul3A_651 : vector<16xf32> to vector<1x16xf32>
        tpu.vector_store %arg7[%swap3A_652, %swap3A_653], %swap3A_656 {strides = array<i32>} : memref<32x256xf32, #tpu.memory_space<vmem>>, vector<1x16xf32>,
        %get3A_657 = arith.index_cast %scan3A_258 : i32 to index
        %get3A_658 = arith.constant 160 : index
        %get3A_659 = tpu.vector_load %arg5[%get3A_657, %get3A_658] {strides = array<i32>} : memref<160x256xf32, #tpu.memory_space<vmem>>, vector<1x16xf32>,
        %get3A_660 = vector.shape_cast %get3A_659 : vector<1x16xf32> to vector<16xf32>
        %add3A_661 = arith.constant 32 : i32
        %add3A_662 = arith.addi %add3A_661, %scan3A_258 : i32
        %get3A_663 = arith.index_cast %add3A_662 : i32 to index
        %get3A_664 = arith.constant 160 : index
        %get3A_665 = tpu.vector_load %arg5[%get3A_663, %get3A_664] {strides = array<i32>} : memref<160x256xf32, #tpu.memory_space<vmem>>, vector<1x16xf32>,
        %get3A_666 = vector.shape_cast %get3A_665 : vector<1x16xf32> to vector<16xf32>
        %add3A_667 = arith.addf %get3A_660, %get3A_666 : vector<16xf32>
        %add3A_668 = arith.constant 64 : i32
        %add3A_669 = arith.addi %add3A_668, %scan3A_258 : i32
        %get3A_670 = arith.index_cast %add3A_669 : i32 to index
        %get3A_671 = arith.constant 160 : index
        %get3A_672 = tpu.vector_load %arg5[%get3A_670, %get3A_671] {strides = array<i32>} : memref<160x256xf32, #tpu.memory_space<vmem>>, vector<1x16xf32>,
        %get3A_673 = vector.shape_cast %get3A_672 : vector<1x16xf32> to vector<16xf32>
        %add3A_674 = arith.addf %add3A_667, %get3A_673 : vector<16xf32>
        %add3A_675 = arith.constant 96 : i32
        %add3A_676 = arith.addi %add3A_675, %scan3A_258 : i32
        %get3A_677 = arith.index_cast %add3A_676 : i32 to index
        %get3A_678 = arith.constant 160 : index
        %get3A_679 = tpu.vector_load %arg5[%get3A_677, %get3A_678] {strides = array<i32>} : memref<160x256xf32, #tpu.memory_space<vmem>>, vector<1x16xf32>,
        %get3A_680 = vector.shape_cast %get3A_679 : vector<1x16xf32> to vector<16xf32>
        %add3A_681 = arith.addf %add3A_674, %get3A_680 : vector<16xf32>
        %add3A_682 = arith.constant 128 : i32
        %add3A_683 = arith.addi %add3A_682, %scan3A_258 : i32
        %get3A_684 = arith.index_cast %add3A_683 : i32 to index
        %get3A_685 = arith.constant 160 : index
        %get3A_686 = tpu.vector_load %arg5[%get3A_684, %get3A_685] {strides = array<i32>} : memref<160x256xf32, #tpu.memory_space<vmem>>, vector<1x16xf32>,
        %get3A_687 = vector.shape_cast %get3A_686 : vector<1x16xf32> to vector<16xf32>
        %add3A_688 = arith.addf %add3A_681, %get3A_687 : vector<16xf32>
        %mul3A_689 = arith.constant 2.000000e-01 : f32
        %mul3A_690 = vector.broadcast %mul3A_689 : f32 to vector<16xf32>
        %mul3A_691 = arith.mulf %add3A_688, %mul3A_690 : vector<16xf32>
        %swap3A_692 = arith.index_cast %scan3A_258 : i32 to index
        %swap3A_693 = arith.constant 160 : index
        %swap3A_694 = tpu.vector_load %arg7[%swap3A_692, %swap3A_693] {strides = array<i32>} : memref<32x256xf32, #tpu.memory_space<vmem>>, vector<1x16xf32>,
        %swap3A_695 = vector.shape_cast %swap3A_694 : vector<1x16xf32> to vector<16xf32>
        %swap3A_696 = vector.shape_cast %mul3A_691 : vector<16xf32> to vector<1x16xf32>
        tpu.vector_store %arg7[%swap3A_692, %swap3A_693], %swap3A_696 {strides = array<i32>} : memref<32x256xf32, #tpu.memory_space<vmem>>, vector<1x16xf32>,
        %get3A_697 = arith.index_cast %scan3A_258 : i32 to index
        %get3A_698 = arith.constant 176 : index
        %get3A_699 = tpu.vector_load %arg5[%get3A_697, %get3A_698] {strides = array<i32>} : memref<160x256xf32, #tpu.memory_space<vmem>>, vector<1x16xf32>,
        %get3A_700 = vector.shape_cast %get3A_699 : vector<1x16xf32> to vector<16xf32>
        %add3A_701 = arith.constant 32 : i32
        %add3A_702 = arith.addi %add3A_701, %scan3A_258 : i32
        %get3A_703 = arith.index_cast %add3A_702 : i32 to index
        %get3A_704 = arith.constant 176 : index
        %get3A_705 = tpu.vector_load %arg5[%get3A_703, %get3A_704] {strides = array<i32>} : memref<160x256xf32, #tpu.memory_space<vmem>>, vector<1x16xf32>,
        %get3A_706 = vector.shape_cast %get3A_705 : vector<1x16xf32> to vector<16xf32>
        %add3A_707 = arith.addf %get3A_700, %get3A_706 : vector<16xf32>
        %add3A_708 = arith.constant 64 : i32
        %add3A_709 = arith.addi %add3A_708, %scan3A_258 : i32
        %get3A_710 = arith.index_cast %add3A_709 : i32 to index
        %get3A_711 = arith.constant 176 : index
        %get3A_712 = tpu.vector_load %arg5[%get3A_710, %get3A_711] {strides = array<i32>} : memref<160x256xf32, #tpu.memory_space<vmem>>, vector<1x16xf32>,
        %get3A_713 = vector.shape_cast %get3A_712 : vector<1x16xf32> to vector<16xf32>
        %add3A_714 = arith.addf %add3A_707, %get3A_713 : vector<16xf32>
        %add3A_715 = arith.constant 96 : i32
        %add3A_716 = arith.addi %add3A_715, %scan3A_258 : i32
        %get3A_717 = arith.index_cast %add3A_716 : i32 to index
        %get3A_718 = arith.constant 176 : index
        %get3A_719 = tpu.vector_load %arg5[%get3A_717, %get3A_718] {strides = array<i32>} : memref<160x256xf32, #tpu.memory_space<vmem>>, vector<1x16xf32>,
        %get3A_720 = vector.shape_cast %get3A_719 : vector<1x16xf32> to vector<16xf32>
        %add3A_721 = arith.addf %add3A_714, %get3A_720 : vector<16xf32>
        %add3A_722 = arith.constant 128 : i32
        %add3A_723 = arith.addi %add3A_722, %scan3A_258 : i32
        %get3A_724 = arith.index_cast %add3A_723 : i32 to index
        %get3A_725 = arith.constant 176 : index
        %get3A_726 = tpu.vector_load %arg5[%get3A_724, %get3A_725] {strides = array<i32>} : memref<160x256xf32, #tpu.memory_space<vmem>>, vector<1x16xf32>,
        %get3A_727 = vector.shape_cast %get3A_726 : vector<1x16xf32> to vector<16xf32>
        %add3A_728 = arith.addf %add3A_721, %get3A_727 : vector<16xf32>
        %mul3A_729 = arith.constant 2.000000e-01 : f32
        %mul3A_730 = vector.broadcast %mul3A_729 : f32 to vector<16xf32>
        %mul3A_731 = arith.mulf %add3A_728, %mul3A_730 : vector<16xf32>
        %swap3A_732 = arith.index_cast %scan3A_258 : i32 to index
        %swap3A_733 = arith.constant 176 : index
        %swap3A_734 = tpu.vector_load %arg7[%swap3A_732, %swap3A_733] {strides = array<i32>} : memref<32x256xf32, #tpu.memory_space<vmem>>, vector<1x16xf32>,
        %swap3A_735 = vector.shape_cast %swap3A_734 : vector<1x16xf32> to vector<16xf32>
        %swap3A_736 = vector.shape_cast %mul3A_731 : vector<16xf32> to vector<1x16xf32>
        tpu.vector_store %arg7[%swap3A_732, %swap3A_733], %swap3A_736 {strides = array<i32>} : memref<32x256xf32, #tpu.memory_space<vmem>>, vector<1x16xf32>,
        %get3A_737 = arith.index_cast %scan3A_258 : i32 to index
        %get3A_738 = arith.constant 192 : index
        %get3A_739 = tpu.vector_load %arg5[%get3A_737, %get3A_738] {strides = array<i32>} : memref<160x256xf32, #tpu.memory_space<vmem>>, vector<1x16xf32>,
        %get3A_740 = vector.shape_cast %get3A_739 : vector<1x16xf32> to vector<16xf32>
        %add3A_741 = arith.constant 32 : i32
        %add3A_742 = arith.addi %add3A_741, %scan3A_258 : i32
        %get3A_743 = arith.index_cast %add3A_742 : i32 to index
        %get3A_744 = arith.constant 192 : index
        %get3A_745 = tpu.vector_load %arg5[%get3A_743, %get3A_744] {strides = array<i32>} : memref<160x256xf32, #tpu.memory_space<vmem>>, vector<1x16xf32>,
        %get3A_746 = vector.shape_cast %get3A_745 : vector<1x16xf32> to vector<16xf32>
        %add3A_747 = arith.addf %get3A_740, %get3A_746 : vector<16xf32>
        %add3A_748 = arith.constant 64 : i32
        %add3A_749 = arith.addi %add3A_748, %scan3A_258 : i32
        %get3A_750 = arith.index_cast %add3A_749 : i32 to index
        %get3A_751 = arith.constant 192 : index
        %get3A_752 = tpu.vector_load %arg5[%get3A_750, %get3A_751] {strides = array<i32>} : memref<160x256xf32, #tpu.memory_space<vmem>>, vector<1x16xf32>,
        %get3A_753 = vector.shape_cast %get3A_752 : vector<1x16xf32> to vector<16xf32>
        %add3A_754 = arith.addf %add3A_747, %get3A_753 : vector<16xf32>
        %add3A_755 = arith.constant 96 : i32
        %add3A_756 = arith.addi %add3A_755, %scan3A_258 : i32
        %get3A_757 = arith.index_cast %add3A_756 : i32 to index
        %get3A_758 = arith.constant 192 : index
        %get3A_759 = tpu.vector_load %arg5[%get3A_757, %get3A_758] {strides = array<i32>} : memref<160x256xf32, #tpu.memory_space<vmem>>, vector<1x16xf32>,
        %get3A_760 = vector.shape_cast %get3A_759 : vector<1x16xf32> to vector<16xf32>
        %add3A_761 = arith.addf %add3A_754, %get3A_760 : vector<16xf32>
        %add3A_762 = arith.constant 128 : i32
        %add3A_763 = arith.addi %add3A_762, %scan3A_258 : i32
        %get3A_764 = arith.index_cast %add3A_763 : i32 to index
        %get3A_765 = arith.constant 192 : index
        %get3A_766 = tpu.vector_load %arg5[%get3A_764, %get3A_765] {strides = array<i32>} : memref<160x256xf32, #tpu.memory_space<vmem>>, vector<1x16xf32>,
        %get3A_767 = vector.shape_cast %get3A_766 : vector<1x16xf32> to vector<16xf32>
        %add3A_768 = arith.addf %add3A_761, %get3A_767 : vector<16xf32>
        %mul3A_769 = arith.constant 2.000000e-01 : f32
        %mul3A_770 = vector.broadcast %mul3A_769 : f32 to vector<16xf32>
        %mul3A_771 = arith.mulf %add3A_768, %mul3A_770 : vector<16xf32>
        %swap3A_772 = arith.index_cast %scan3A_258 : i32 to index
        %swap3A_773 = arith.constant 192 : index
        %swap3A_774 = tpu.vector_load %arg7[%swap3A_772, %swap3A_773] {strides = array<i32>} : memref<32x256xf32, #tpu.memory_space<vmem>>, vector<1x16xf32>,
        %swap3A_775 = vector.shape_cast %swap3A_774 : vector<1x16xf32> to vector<16xf32>
        %swap3A_776 = vector.shape_cast %mul3A_771 : vector<16xf32> to vector<1x16xf32>
        tpu.vector_store %arg7[%swap3A_772, %swap3A_773], %swap3A_776 {strides = array<i32>} : memref<32x256xf32, #tpu.memory_space<vmem>>, vector<1x16xf32>,
        %get3A_777 = arith.index_cast %scan3A_258 : i32 to index
        %get3A_778 = arith.constant 208 : index
        %get3A_779 = tpu.vector_load %arg5[%get3A_777, %get3A_778] {strides = array<i32>} : memref<160x256xf32, #tpu.memory_space<vmem>>, vector<1x16xf32>,
        %get3A_780 = vector.shape_cast %get3A_779 : vector<1x16xf32> to vector<16xf32>
        %add3A_781 = arith.constant 32 : i32
        %add3A_782 = arith.addi %add3A_781, %scan3A_258 : i32
        %get3A_783 = arith.index_cast %add3A_782 : i32 to index
        %get3A_784 = arith.constant 208 : index
        %get3A_785 = tpu.vector_load %arg5[%get3A_783, %get3A_784] {strides = array<i32>} : memref<160x256xf32, #tpu.memory_space<vmem>>, vector<1x16xf32>,
        %get3A_786 = vector.shape_cast %get3A_785 : vector<1x16xf32> to vector<16xf32>
        %add3A_787 = arith.addf %get3A_780, %get3A_786 : vector<16xf32>
        %add3A_788 = arith.constant 64 : i32
        %add3A_789 = arith.addi %add3A_788, %scan3A_258 : i32
        %get3A_790 = arith.index_cast %add3A_789 : i32 to index
        %get3A_791 = arith.constant 208 : index
        %get3A_792 = tpu.vector_load %arg5[%get3A_790, %get3A_791] {strides = array<i32>} : memref<160x256xf32, #tpu.memory_space<vmem>>, vector<1x16xf32>,
        %get3A_793 = vector.shape_cast %get3A_792 : vector<1x16xf32> to vector<16xf32>
        %add3A_794 = arith.addf %add3A_787, %get3A_793 : vector<16xf32>
        %add3A_795 = arith.constant 96 : i32
        %add3A_796 = arith.addi %add3A_795, %scan3A_258 : i32
        %get3A_797 = arith.index_cast %add3A_796 : i32 to index
        %get3A_798 = arith.constant 208 : index
        %get3A_799 = tpu.vector_load %arg5[%get3A_797, %get3A_798] {strides = array<i32>} : memref<160x256xf32, #tpu.memory_space<vmem>>, vector<1x16xf32>,
        %get3A_800 = vector.shape_cast %get3A_799 : vector<1x16xf32> to vector<16xf32>
        %add3A_801 = arith.addf %add3A_794, %get3A_800 : vector<16xf32>
        %add3A_802 = arith.constant 128 : i32
        %add3A_803 = arith.addi %add3A_802, %scan3A_258 : i32
        %get3A_804 = arith.index_cast %add3A_803 : i32 to index
        %get3A_805 = arith.constant 208 : index
        %get3A_806 = tpu.vector_load %arg5[%get3A_804, %get3A_805] {strides = array<i32>} : memref<160x256xf32, #tpu.memory_space<vmem>>, vector<1x16xf32>,
        %get3A_807 = vector.shape_cast %get3A_806 : vector<1x16xf32> to vector<16xf32>
        %add3A_808 = arith.addf %add3A_801, %get3A_807 : vector<16xf32>
        %mul3A_809 = arith.constant 2.000000e-01 : f32
        %mul3A_810 = vector.broadcast %mul3A_809 : f32 to vector<16xf32>
        %mul3A_811 = arith.mulf %add3A_808, %mul3A_810 : vector<16xf32>
        %swap3A_812 = arith.index_cast %scan3A_258 : i32 to index
        %swap3A_813 = arith.constant 208 : index
        %swap3A_814 = tpu.vector_load %arg7[%swap3A_812, %swap3A_813] {strides = array<i32>} : memref<32x256xf32, #tpu.memory_space<vmem>>, vector<1x16xf32>,
        %swap3A_815 = vector.shape_cast %swap3A_814 : vector<1x16xf32> to vector<16xf32>
        %swap3A_816 = vector.shape_cast %mul3A_811 : vector<16xf32> to vector<1x16xf32>
        tpu.vector_store %arg7[%swap3A_812, %swap3A_813], %swap3A_816 {strides = array<i32>} : memref<32x256xf32, #tpu.memory_space<vmem>>, vector<1x16xf32>,
        %get3A_817 = arith.index_cast %scan3A_258 : i32 to index
        %get3A_818 = arith.constant 224 : index
        %get3A_819 = tpu.vector_load %arg5[%get3A_817, %get3A_818] {strides = array<i32>} : memref<160x256xf32, #tpu.memory_space<vmem>>, vector<1x16xf32>,
        %get3A_820 = vector.shape_cast %get3A_819 : vector<1x16xf32> to vector<16xf32>
        %add3A_821 = arith.constant 32 : i32
        %add3A_822 = arith.addi %add3A_821, %scan3A_258 : i32
        %get3A_823 = arith.index_cast %add3A_822 : i32 to index
        %get3A_824 = arith.constant 224 : index
        %get3A_825 = tpu.vector_load %arg5[%get3A_823, %get3A_824] {strides = array<i32>} : memref<160x256xf32, #tpu.memory_space<vmem>>, vector<1x16xf32>,
        %get3A_826 = vector.shape_cast %get3A_825 : vector<1x16xf32> to vector<16xf32>
        %add3A_827 = arith.addf %get3A_820, %get3A_826 : vector<16xf32>
        %add3A_828 = arith.constant 64 : i32
        %add3A_829 = arith.addi %add3A_828, %scan3A_258 : i32
        %get3A_830 = arith.index_cast %add3A_829 : i32 to index
        %get3A_831 = arith.constant 224 : index
        %get3A_832 = tpu.vector_load %arg5[%get3A_830, %get3A_831] {strides = array<i32>} : memref<160x256xf32, #tpu.memory_space<vmem>>, vector<1x16xf32>,
        %get3A_833 = vector.shape_cast %get3A_832 : vector<1x16xf32> to vector<16xf32>
        %add3A_834 = arith.addf %add3A_827, %get3A_833 : vector<16xf32>
        %add3A_835 = arith.constant 96 : i32
        %add3A_836 = arith.addi %add3A_835, %scan3A_258 : i32
        %get3A_837 = arith.index_cast %add3A_836 : i32 to index
        %get3A_838 = arith.constant 224 : index
        %get3A_839 = tpu.vector_load %arg5[%get3A_837, %get3A_838] {strides = array<i32>} : memref<160x256xf32, #tpu.memory_space<vmem>>, vector<1x16xf32>,
        %get3A_840 = vector.shape_cast %get3A_839 : vector<1x16xf32> to vector<16xf32>
        %add3A_841 = arith.addf %add3A_834, %get3A_840 : vector<16xf32>
        %add3A_842 = arith.constant 128 : i32
        %add3A_843 = arith.addi %add3A_842, %scan3A_258 : i32
        %get3A_844 = arith.index_cast %add3A_843 : i32 to index
        %get3A_845 = arith.constant 224 : index
        %get3A_846 = tpu.vector_load %arg5[%get3A_844, %get3A_845] {strides = array<i32>} : memref<160x256xf32, #tpu.memory_space<vmem>>, vector<1x16xf32>,
        %get3A_847 = vector.shape_cast %get3A_846 : vector<1x16xf32> to vector<16xf32>
        %add3A_848 = arith.addf %add3A_841, %get3A_847 : vector<16xf32>
        %mul3A_849 = arith.constant 2.000000e-01 : f32
        %mul3A_850 = vector.broadcast %mul3A_849 : f32 to vector<16xf32>
        %mul3A_851 = arith.mulf %add3A_848, %mul3A_850 : vector<16xf32>
        %swap3A_852 = arith.index_cast %scan3A_258 : i32 to index
        %swap3A_853 = arith.constant 224 : index
        %swap3A_854 = tpu.vector_load %arg7[%swap3A_852, %swap3A_853] {strides = array<i32>} : memref<32x256xf32, #tpu.memory_space<vmem>>, vector<1x16xf32>,
        %swap3A_855 = vector.shape_cast %swap3A_854 : vector<1x16xf32> to vector<16xf32>
        %swap3A_856 = vector.shape_cast %mul3A_851 : vector<16xf32> to vector<1x16xf32>
        tpu.vector_store %arg7[%swap3A_852, %swap3A_853], %swap3A_856 {strides = array<i32>} : memref<32x256xf32, #tpu.memory_space<vmem>>, vector<1x16xf32>,
        %get3A_857 = arith.index_cast %scan3A_258 : i32 to index
        %get3A_858 = arith.constant 240 : index
        %get3A_859 = tpu.vector_load %arg5[%get3A_857, %get3A_858] {strides = array<i32>} : memref<160x256xf32, #tpu.memory_space<vmem>>, vector<1x16xf32>,
        %get3A_860 = vector.shape_cast %get3A_859 : vector<1x16xf32> to vector<16xf32>
        %add3A_861 = arith.constant 32 : i32
        %add3A_862 = arith.addi %add3A_861, %scan3A_258 : i32
        %get3A_863 = arith.index_cast %add3A_862 : i32 to index
        %get3A_864 = arith.constant 240 : index
        %get3A_865 = tpu.vector_load %arg5[%get3A_863, %get3A_864] {strides = array<i32>} : memref<160x256xf32, #tpu.memory_space<vmem>>, vector<1x16xf32>,
        %get3A_866 = vector.shape_cast %get3A_865 : vector<1x16xf32> to vector<16xf32>
        %add3A_867 = arith.addf %get3A_860, %get3A_866 : vector<16xf32>
        %add3A_868 = arith.constant 64 : i32
        %add3A_869 = arith.addi %add3A_868, %scan3A_258 : i32
        %get3A_870 = arith.index_cast %add3A_869 : i32 to index
        %get3A_871 = arith.constant 240 : index
        %get3A_872 = tpu.vector_load %arg5[%get3A_870, %get3A_871] {strides = array<i32>} : memref<160x256xf32, #tpu.memory_space<vmem>>, vector<1x16xf32>,
        %get3A_873 = vector.shape_cast %get3A_872 : vector<1x16xf32> to vector<16xf32>
        %add3A_874 = arith.addf %add3A_867, %get3A_873 : vector<16xf32>
        %add3A_875 = arith.constant 96 : i32
        %add3A_876 = arith.addi %add3A_875, %scan3A_258 : i32
        %get3A_877 = arith.index_cast %add3A_876 : i32 to index
        %get3A_878 = arith.constant 240 : index
        %get3A_879 = tpu.vector_load %arg5[%get3A_877, %get3A_878] {strides = array<i32>} : memref<160x256xf32, #tpu.memory_space<vmem>>, vector<1x16xf32>,
        %get3A_880 = vector.shape_cast %get3A_879 : vector<1x16xf32> to vector<16xf32>
        %add3A_881 = arith.addf %add3A_874, %get3A_880 : vector<16xf32>
        %add3A_882 = arith.constant 128 : i32
        %add3A_883 = arith.addi %add3A_882, %scan3A_258 : i32
        %get3A_884 = arith.index_cast %add3A_883 : i32 to index
        %get3A_885 = arith.constant 240 : index
        %get3A_886 = tpu.vector_load %arg5[%get3A_884, %get3A_885] {strides = array<i32>} : memref<160x256xf32, #tpu.memory_space<vmem>>, vector<1x16xf32>,
        %get3A_887 = vector.shape_cast %get3A_886 : vector<1x16xf32> to vector<16xf32>
        %add3A_888 = arith.addf %add3A_881, %get3A_887 : vector<16xf32>
        %mul3A_889 = arith.constant 2.000000e-01 : f32
        %mul3A_890 = vector.broadcast %mul3A_889 : f32 to vector<16xf32>
        %mul3A_891 = arith.mulf %add3A_888, %mul3A_890 : vector<16xf32>
        %swap3A_892 = arith.index_cast %scan3A_258 : i32 to index
        %swap3A_893 = arith.constant 240 : index
        %swap3A_894 = tpu.vector_load %arg7[%swap3A_892, %swap3A_893] {strides = array<i32>} : memref<32x256xf32, #tpu.memory_space<vmem>>, vector<1x16xf32>,
        %swap3A_895 = vector.shape_cast %swap3A_894 : vector<1x16xf32> to vector<16xf32>
        %swap3A_896 = vector.shape_cast %mul3A_891 : vector<16xf32> to vector<1x16xf32>
        tpu.vector_store %arg7[%swap3A_892, %swap3A_893], %swap3A_896 {strides = array<i32>} : memref<32x256xf32, #tpu.memory_space<vmem>>, vector<1x16xf32>,
      }
      %scan3A_201 = arith.constant 32 : i32
      %mul3A_202 = arith.constant 40 : i32
      %mul3A_203 = arith.muli %add3A, %mul3A_202 : i32
      %add3A_204 = arith.addi %mul3A_203, %add3A_184 : i32
      %jit3A_205 = arith.constant 20 : i32
      %div3A_206 = arith.divsi %add3A_204, %jit3A_205 : i32
      %sign3A_207 = arith.constant 0 : i32
      %sign3A_208 = arith.cmpi sgt, %add3A_204, %sign3A_207 : i32
      %sign3A_209 = arith.extui %sign3A_208 : i1 to i32
      %sign3A_210 = arith.constant 0 : i32
      %sign3A_211 = arith.cmpi slt, %add3A_204, %sign3A_210 : i32
      %sign3A_212 = arith.extui %sign3A_211 : i1 to i32
      %sign3A_213 = arith.subi %sign3A_209, %sign3A_212 : i32
      %sign3A_214 = arith.constant 0 : i32
      %sign3A_215 = arith.cmpi sgt, %jit3A_205, %sign3A_214 : i32
      %sign3A_216 = arith.extui %sign3A_215 : i1 to i32
      %sign3A_217 = arith.constant 0 : i32
      %sign3A_218 = arith.cmpi slt, %jit3A_205, %sign3A_217 : i32
      %sign3A_219 = arith.extui %sign3A_218 : i1 to i32
      %sign3A_220 = arith.subi %sign3A_216, %sign3A_219 : i32
      %ne3A_221 = arith.cmpi ne, %sign3A_213, %sign3A_220 : i32
      %rem3A_222 = arith.remsi %add3A_204, %jit3A_205 : i32
      %ne3A_223 = arith.constant 0 : i32
      %ne3A_224 = arith.cmpi ne, %rem3A_222, %ne3A_223 : i32
      %and3A_225 = arith.andi %ne3A_221, %ne3A_224 : i1
      %sub3A_226 = arith.constant 1 : i32
      %sub3A_227 = arith.subi %div3A_206, %sub3A_226 : i32
      %select_n3A_228 = arith.select %and3A_225, %sub3A_227, %div3A_206 : i32
      %jit3A_229 = arith.constant 20 : i32
      %eq3A_230 = arith.constant 0 : i32
      %eq3A_231 = arith.cmpi eq, %jit3A_229, %eq3A_230 : i32
      %jit3A_232 = arith.constant 1 : i32
      %select_n3A_233 = arith.select %eq3A_231, %jit3A_232, %jit3A_229 : i32
      %rem3A_234 = arith.remsi %add3A_204, %select_n3A_233 : i32
      %ne3A_235 = arith.constant 0 : i32
      %ne3A_236 = arith.cmpi ne, %rem3A_234, %ne3A_235 : i32
      %lt3A_237 = arith.constant 0 : i32
      %lt3A_238 = arith.cmpi slt, %rem3A_234, %lt3A_237 : i32
      %lt3A_239 = arith.constant 0 : i32
      %lt3A_240 = arith.cmpi slt, %select_n3A_233, %lt3A_239 : i32
      %ne3A_241 = arith.xori %lt3A_238, %lt3A_240 : i1
      %and3A_242 = arith.andi %ne3A_241, %ne3A_236 : i1
      %add3A_243 = arith.addi %rem3A_234, %select_n3A_233 : i32
      %select_n3A_244 = arith.select %and3A_242, %add3A_243, %rem3A_234 : i32
      %mul3A_245 = arith.constant 256 : i32
      %mul3A_246 = arith.muli %select_n3A_228, %mul3A_245 : i32
      %mul3A_247 = arith.constant 32 : i32
      %mul3A_248 = arith.muli %mul3A_247, %select_n3A_244 : i32
      %dma_start3A_249 = tpu.memref_slice %arg3[%mul3A_248, %mul3A_246] : memref<640x16384xf32, #tpu.memory_space<hbm>> -> memref<32x256xf32, #tpu.memory_space<hbm>>
      %dma_start3A_250 = tpu.memref_slice %arg3[%mul3A_248, %mul3A_246] : memref<640x16384xf32, #tpu.memory_space<hbm>> -> memref<32x256xf32, #tpu.memory_space<hbm>>
      tpu.enqueue_dma source(%arg7 : memref<32x256xf32, #tpu.memory_space<vmem>>) target(%dma_start3A_250 : memref<32x256xf32, #tpu.memory_space<hbm>>) target_semaphore(%arg11 : memref<!tpu.dma_semaphore, #tpu.memory_space<semaphore_mem>>)
      %add3A_251 = arith.constant 2 : i32
      %add3A_252 = arith.addi %add3A_184, %add3A_251 : i32
      %lt3A_253 = arith.constant 40 : i32
      %lt3A_254 = arith.cmpi slt, %add3A_252, %lt3A_253 : i32
      %convert_element_type3A_255 = arith.extui %lt3A_254 : i1 to i32
      %cond3A_256 = arith.constant 0 : i32
      %cond3A_257 = arith.cmpi ne, %convert_element_type3A_255, %cond3A_256 : i32
      scf.if %cond3A_257 {
        %add3A_258 = arith.constant 2 : i32
        %add3A_259 = arith.addi %add3A_184, %add3A_258 : i32
        %mul3A_260 = arith.constant 40 : i32
        %mul3A_261 = arith.muli %add3A, %mul3A_260 : i32
        %add3A_262 = arith.addi %mul3A_261, %add3A_259 : i32
        %jit3A_263 = arith.constant 20 : i32
        %div3A_264 = arith.divsi %add3A_262, %jit3A_263 : i32
        %sign3A_265 = arith.constant 0 : i32
        %sign3A_266 = arith.cmpi sgt, %add3A_262, %sign3A_265 : i32
        %sign3A_267 = arith.extui %sign3A_266 : i1 to i32
        %sign3A_268 = arith.constant 0 : i32
        %sign3A_269 = arith.cmpi slt, %add3A_262, %sign3A_268 : i32
        %sign3A_270 = arith.extui %sign3A_269 : i1 to i32
        %sign3A_271 = arith.subi %sign3A_267, %sign3A_270 : i32
        %sign3A_272 = arith.constant 0 : i32
        %sign3A_273 = arith.cmpi sgt, %jit3A_263, %sign3A_272 : i32
        %sign3A_274 = arith.extui %sign3A_273 : i1 to i32
        %sign3A_275 = arith.constant 0 : i32
        %sign3A_276 = arith.cmpi slt, %jit3A_263, %sign3A_275 : i32
        %sign3A_277 = arith.extui %sign3A_276 : i1 to i32
        %sign3A_278 = arith.subi %sign3A_274, %sign3A_277 : i32
        %ne3A_279 = arith.cmpi ne, %sign3A_271, %sign3A_278 : i32
        %rem3A_280 = arith.remsi %add3A_262, %jit3A_263 : i32
        %ne3A_281 = arith.constant 0 : i32
        %ne3A_282 = arith.cmpi ne, %rem3A_280, %ne3A_281 : i32
        %and3A_283 = arith.andi %ne3A_279, %ne3A_282 : i1
        %sub3A_284 = arith.constant 1 : i32
        %sub3A_285 = arith.subi %div3A_264, %sub3A_284 : i32
        %select_n3A_286 = arith.select %and3A_283, %sub3A_285, %div3A_264 : i32
        %jit3A_287 = arith.constant 20 : i32
        %eq3A_288 = arith.constant 0 : i32
        %eq3A_289 = arith.cmpi eq, %jit3A_287, %eq3A_288 : i32
        %jit3A_290 = arith.constant 1 : i32
        %select_n3A_291 = arith.select %eq3A_289, %jit3A_290, %jit3A_287 : i32
        %rem3A_292 = arith.remsi %add3A_262, %select_n3A_291 : i32
        %ne3A_293 = arith.constant 0 : i32
        %ne3A_294 = arith.cmpi ne, %rem3A_292, %ne3A_293 : i32
        %lt3A_295 = arith.constant 0 : i32
        %lt3A_296 = arith.cmpi slt, %rem3A_292, %lt3A_295 : i32
        %lt3A_297 = arith.constant 0 : i32
        %lt3A_298 = arith.cmpi slt, %select_n3A_291, %lt3A_297 : i32
        %ne3A_299 = arith.xori %lt3A_296, %lt3A_298 : i1
        %and3A_300 = arith.andi %ne3A_299, %ne3A_294 : i1
        %add3A_301 = arith.addi %rem3A_292, %select_n3A_291 : i32
        %select_n3A_302 = arith.select %and3A_300, %add3A_301, %rem3A_292 : i32
        %mul3A_303 = arith.constant 256 : i32
        %mul3A_304 = arith.muli %select_n3A_286, %mul3A_303 : i32
        %mul3A_305 = arith.constant 160 : i32
        %mul3A_306 = arith.muli %mul3A_305, %select_n3A_302 : i32
        %dma_start3A_307 = tpu.memref_slice %arg2[%mul3A_306, %mul3A_304] : memref<3200x16384xf32, #tpu.memory_space<hbm>> -> memref<160x256xf32, #tpu.memory_space<hbm>>
        %dma_start3A_308 = tpu.memref_slice %arg2[%mul3A_306, %mul3A_304] : memref<3200x16384xf32, #tpu.memory_space<hbm>> -> memref<160x256xf32, #tpu.memory_space<hbm>>
        tpu.enqueue_dma source(%dma_start3A_308 : memref<160x256xf32, #tpu.memory_space<hbm>>) target(%arg5 : memref<160x256xf32, #tpu.memory_space<vmem>>) target_semaphore(%arg9 : memref<!tpu.dma_semaphore, #tpu.memory_space<semaphore_mem>>)
      } else {
      }
    }
    %scan3A_94 = arith.constant 20 : i32
    %dma_wait3A = arith.constant 0 : i32
    %dma_wait3A_95 = arith.constant 0 : i32
    %dma_wait3A_96 = tpu.memref_slice %arg3[%dma_wait3A, %dma_wait3A_95] : memref<640x16384xf32, #tpu.memory_space<hbm>> -> memref<32x256xf32, #tpu.memory_space<hbm>>
    %dma_wait3A_97 = arith.constant 0 : i32
    %dma_wait3A_98 = arith.constant 0 : i32
    %dma_wait3A_99 = tpu.memref_slice %arg3[%dma_wait3A_97, %dma_wait3A_98] : memref<640x16384xf32, #tpu.memory_space<hbm>> -> memref<32x256xf32, #tpu.memory_space<hbm>>
    tpu.wait_dma2 semaphore(%arg10 : memref<!tpu.dma_semaphore, #tpu.memory_space<semaphore_mem>>) src(%arg6 : memref<32x256xf32, #tpu.memory_space<vmem>>) dst(%dma_wait3A_99 : memref<32x256xf32, #tpu.memory_space<hbm>>)
    %dma_wait3A_100 = arith.constant 0 : i32
    %dma_wait3A_101 = arith.constant 0 : i32
    %dma_wait3A_102 = tpu.memref_slice %arg3[%dma_wait3A_100, %dma_wait3A_101] : memref<640x16384xf32, #tpu.memory_space<hbm>> -> memref<32x256xf32, #tpu.memory_space<hbm>>
    %dma_wait3A_103 = arith.constant 0 : i32
    %dma_wait3A_104 = arith.constant 0 : i32
    %dma_wait3A_105 = tpu.memref_slice %arg3[%dma_wait3A_103, %dma_wait3A_104] : memref<640x16384xf32, #tpu.memory_space<hbm>> -> memref<32x256xf32, #tpu.memory_space<hbm>>
    tpu.wait_dma2 semaphore(%arg11 : memref<!tpu.dma_semaphore, #tpu.memory_space<semaphore_mem>>) src(%arg7 : memref<32x256xf32, #tpu.memory_space<vmem>>) dst(%dma_wait3A_105 : memref<32x256xf32, #tpu.memory_space<hbm>>)
    return
  }
}

</mosaic_0001>

<sc_bundles>
// kernel: kernel.3.cloned.1.call-start
scs
__scs_entry_jumppad:
0x0: {  	(pc) =	sbr.rel $0x88, $3  }
0x1: {  	(tag) =	ssettag $0x0;
	lr =	simm.s32 $0x1  }
0x2: {  	[smem:$0x3FA0] =	sst lr;
	_ =	strace $0xD0000000  }
0x3: {  	_ = 	snop  }
0x4: {  	_ = 	snop  }
0x5: {  	_ = 	snop  }
0x6: {  	_ = 	snop  }
0x7: {  	_ = 	snop  }
__scs_overlays_trampoline_lowered:
0x8: {  	[smem:$0x3FAF] =	sst s0  }
0x9: {  	[smem:$0x3FB0] =	sst s1  }
0xa: {  	[smem:$0x3FB1] =	sst s2  }
0xb: {  	[smem:$0x3FB2] =	sst s3  }
0xc: {  	[smem:$0x3FB3] =	sst s4  }
0xd: {  	[smem:$0x3FB4] =	sst s5  }
0xe: {  	[smem:$0x3FB5] =	sst s6  }
0xf: {  	[smem:$0x3FB6] =	sst s7  }
0x10: {  	[smem:$0x3FB7] =	sst s8  }
0x11: {  	[smem:$0x3FB8] =	sst s9;
	s0 =	simm.s32 @!p0 $0x0  }
0x12: {  	s1 =	sld [smem:$0x3F9E];
	s0 =	simm.s32 @p0 $0x1  }
0x13: {  	[smem:$0x3FB9] =	sst s0;
	s0 =	simm.s32 @!p1 $0x0  }
0x14: {  	s2 =	sld [smem:$0x3F9D];
	s0 =	simm.s32 @p1 $0x1  }
0x15: {  	[smem:$0x3FBA] =	sst s0;
	s0 =	simm.s32 @!p2 $0x0  }
0x16: {  	s3 =	sld [smem:$0x3FDB];
	s0 =	simm.s32 @p2 $0x1  }
0x17: {  	s4 =	simm.s32 $0x1BF5;
	[smem:$0x3FBC] =	sst s0  }
0x18: {  	s0 =	sld [smem:$0x3F9F];
	_ =	swait.ge [sflag:s4], $0x0  }
0x19: {  	s7 =	sld [smem:$0x3FA0]  }
0x1a: {  	s8 =	sadd.s32 $0xFFFFE003, lr  }
0x1b: {  	s9 =	sadd.s32 $0xFFFFFEF7, lr;
	s5 =	simm.s32 $0xFFFFFFFF;
	p2 =	slt.u32 s8, $0xFFFFF086  }
0x1c: {  	p1 =	slt.u32 s9, $0xF7A;
	s5 =	simm.s32 @!p2 $0x0  }
0x1d: {  	s5 =	simm.s32 @p1 $0x1;
	p0 =	seq.s32 s7, s2  }
0x1e: {  	s7 =	smul.u32 @!p0 $0xF7A, s2;
	p2 =	seq.s32 @!p0 s5, $0x0  }
0x1f: {  	s9 =	smul.u32 $0xF7A, s1;
	s8 =	simm.s32 @!p0 $0x1BF5;
	p2 =	por !p2, p0  }
0x20: {  	[sflag:s8] =	ssyncset.s32 @!p0 $0xFFFFF086;
	s6 =	sadd.s32 @!p0 s3, s7;
	s7 =	simm.s32 @!p0 $0x108  }
0x21: {  	s3 =	sadd.s32 s3, s9;
	s6 =	sadd.s32 @!p0 $0x88, s6;
	s7 =	simm.s32 @p2 $0x1082  }
0x22: {  	[simem:s7], [sflag:s8] =	dma.local @!p0 [hbm:s6], $0xF7A  }
0x23: {  	s9 =	sor.u32 $0xD0000000, s2;
	s6 =	simm.s32 $0x108;
	_ =	swait.ge @!p0 [sflag:s8], $0x0  }
0x24: {  	s3 =	sadd.s32 $0x88, s3;
	s6 =	simm.s32 @!p1 $0x1082;
	[sflag:s4] =	ssyncset.s32 $0xFFFFF086  }
0x25: {  	[simem:s6], [sflag:s4] =	dma.local [hbm:s3], $0xF7A  }
0x26: {  	[smem:$0x3FA0] =	sst s1;
	(tag) =	ssettag s2;
	_ =	strace s9  }
0x27: {  	s1 =	sld [smem:$0x3FB0]  }
0x28: {  	s2 =	sld [smem:$0x3FB1]  }
0x29: {  	s4 =	sld [smem:$0x3FB3]  }
0x2a: {  	p0 =	seq.s32 s5, $0x0;
	s5 =	sld [smem:$0x3FB4]  }
0x2b: {  	s6 =	sld [smem:$0x3FB5]  }
0x2c: {  	s7 =	sld [smem:$0x3FB6]  }
0x2d: {  	s3 =	simm.s32 $0x108;
	s8 =	sld [smem:$0x3FB7]  }
0x2e: {  	s3 =	simm.s32 @!p0 $0x1082;
	s9 =	sld [smem:$0x3FB8]  }
0x2f: {  	lr =	sadd.s32 s0, s3;
	s0 =	sld [smem:$0x3FAF]  }
0x30: {  	s3 =	sld [smem:$0x3FB2]  }
0x31: {  	[smem:$0x3FBB] =	sst s10  }
0x32: {  	s10 =	sld [smem:$0x3FB9];
	_ =	sdelay $0x3  }
0x33: {  	p0 =	seq.s32 s10, $0x1;
	s10 =	sld [smem:$0x3FBB];
	_ =	sdelay $0x3  }
0x34: {  	[smem:$0x3FBB] =	sst s10  }
0x35: {  	s10 =	sld [smem:$0x3FBA];
	_ =	sdelay $0x3  }
0x36: {  	p1 =	seq.s32 s10, $0x1;
	s10 =	sld [smem:$0x3FBB];
	_ =	sdelay $0x3  }
0x37: {  	[smem:$0x3FBB] =	sst s10  }
0x38: {  	s10 =	sld [smem:$0x3FBC]  }
0x39: {  	_ = 	snop;
	(pc) =	sbr.ind lr, $3  }
0x3a: {  	_ = 	snop  }
0x3b: {  	_ = 	snop  }
0x3c: {  	p2 =	seq.s32 s10, $0x1;
	s10 =	sld [smem:$0x3FBB]  }
0x3d: {  	_ =	shalt  }
0x3e: {  	_ =	shalt  }
0x3f: {  	_ =	shalt  }
0x40: {  	_ =	shalt  }
0x41: {  	_ =	shalt  }
0x42: {  	_ =	shalt  }
0x43: {  	_ =	shalt  }
0x44: {  	_ =	shalt  }
0x45: {  	_ =	shalt  }
0x46: {  	_ =	shalt  }
0x47: {  	_ =	shalt  }
0x48: {  	_ =	shalt  }
0x49: {  	_ =	shalt  }
0x4a: {  	_ =	shalt  }
0x4b: {  	_ =	shalt  }
0x4c: {  	_ =	shalt  }
0x4d: {  	_ =	shalt  }
0x4e: {  	_ =	shalt  }
0x4f: {  	_ =	shalt  }
0x50: {  	_ =	shalt  }
0x51: {  	_ =	shalt  }
0x52: {  	_ =	shalt  }
0x53: {  	_ =	shalt  }
0x54: {  	_ =	shalt  }
0x55: {  	_ =	shalt  }
0x56: {  	_ =	shalt  }
0x57: {  	_ =	shalt  }
0x58: {  	_ =	shalt  }
0x59: {  	_ =	shalt  }
0x5a: {  	_ =	shalt  }
0x5b: {  	_ =	shalt  }
0x5c: {  	_ =	shalt  }
0x5d: {  	_ =	shalt  }
0x5e: {  	_ =	shalt  }
0x5f: {  	_ =	shalt  }
0x60: {  	_ =	shalt  }
0x61: {  	_ =	shalt  }
0x62: {  	_ =	shalt  }
0x63: {  	_ =	shalt  }
0x64: {  	_ =	shalt  }
0x65: {  	_ =	shalt  }
0x66: {  	_ =	shalt  }
0x67: {  	_ =	shalt  }
0x68: {  	_ =	shalt  }
0x69: {  	_ =	shalt  }
0x6a: {  	_ =	shalt  }
0x6b: {  	_ =	shalt  }
0x6c: {  	_ =	shalt  }
0x6d: {  	_ =	shalt  }
0x6e: {  	_ =	shalt  }
0x6f: {  	_ =	shalt  }
0x70: {  	_ =	shalt  }
0x71: {  	_ =	shalt  }
0x72: {  	_ =	shalt  }
0x73: {  	_ =	shalt  }
0x74: {  	_ =	shalt  }
0x75: {  	_ =	shalt  }
0x76: {  	_ =	shalt  }
0x77: {  	_ =	shalt  }
0x78: {  	_ =	shalt  }
0x79: {  	_ =	shalt  }
0x7a: {  	_ =	shalt  }
0x7b: {  	_ =	shalt  }
0x7c: {  	_ =	shalt  }
0x7d: {  	_ =	shalt  }
0x7e: {  	_ =	shalt  }
0x7f: {  	_ =	shalt  }
0x80: {  	_ =	shalt  }
0x81: {  	_ =	shalt  }
0x82: {  	_ =	shalt  }
0x83: {  	_ =	shalt  }
0x84: {  	_ =	shalt  }
0x85: {  	_ =	shalt  }
0x86: {  	_ =	shalt  }
0x87: {  	_ =	shalt  }
.Lfunc_end0:
.L_simem_size_0:
called_computation_lowered:
.L_overlay_start_0:
0x88: {  	s2 =	sld [smem:$0x3FD9]  }
0x89: {  	s3 =	sld [smem:$0x3FFE];
	_ =	sdelay $0x1  }
0x8a: {  	s1 =	srdreg.scid  }
0x8b: {  	s0 =	sand.u32 $0x1, s1  }
0x8c: {  	s18 =	sshll.u32 s0, $0xA;
	s2 =	sadd.s32 s3, s2  }
0x8d: {  	s2 =	sadd.s32 s2, s18  }
0x8e: {  	[smem:$0x3FC7] =	sst s2  }
0x8f: {  	_ = 	snop  }
0x90: {  	s2 =	sld [smem:$0x3FC9]  }
0x91: {  	s19 =	sld [smem:$0x3FD0];
	(tm) =	ssettm $0x1  }
0x92: {  	s4 =	sld [smem:$0x3FFB];
	_ =	sdelay $0x3  }
0x93: {  	_ =	strace s4  }
0x94: {  	s4 =	sld [smem:$0x3FFC];
	_ =	sdelay $0x3  }
0x95: {  	_ =	strace s4  }
0x96: {  	s4 =	sld [smem:$0x3FFD];
	_ =	sdelay $0x3  }
0x97: {  	_ =	strace s4  }
0x98: {  	_ =	strace $0x8FFFFFFF  }
0x99: {  	s20 =	sld [smem:$0x3FDB];
	_ =	sdelay $0x1  }
0x9a: {  	s5 =	simm.s32 $_scs_section_size  }
0x9b: {  	s6 =	simm.s32 $_size__tile_overlayer_lowered;
	s7 =	simm.s32 $_tile_overlayer_lowered  }
0x9c: {  	s23 =	simm.s32 $0x1BFF;
	s22 =	sshll.u32 s7, $0x1;
	s4 =	sadd.s32 s5, s20  }
0x9d: {  	s8 =	simm.s32 $0x0;
	s21 =	sshll.u32 s6, $0x1;
	s6 =	sadd.s32 s22, s4  }
0x9e: {  	[timem:s8], [sflag:s23] =	dma.local [hbm:s6], s21  }
0x9f: {  	_ =	swait.ge [sflag:s23], s21  }
0xa0: {  	s5 =	ssub.s32 $0x0, s21;
	[sflag:s23] =	ssyncset.done $0x0  }
0xa1: {  	[sflag:s23] =	ssyncadd.s32 s5;
	_ =	sdelay $0x1  }
0xa2: {  	s24 =	simm.s32 $0x1B8B  }
0xa3: {  	_ =	swait.ge [sflag:s24], $0x1  }
0xa4: {  	[sflag:s24] =	ssyncset.done $0x0  }
0xa5: {  	s25 =	simm.s32 $0x1B8E;
	[sflag:s24] =	ssyncadd.s32 $0xFFFFFFFF  }
0xa6: {  	s26 =	simm.s32 $execute0_lowered;
	[smem:$0x3FD2] =	sst s25  }
0xa7: {  	s5 =	sshll.u32 s26, $0x1;
	_ =	strace $0x80000046;
	[dreg:$0x1] =	wrdreg $0xFFFFFFFF  }
0xa8: {  	s28 =	simm.s32 $_size_execute0_lowered;
	s4 =	sadd.s32 s4, s5;
	[dreg:$0x0] =	wrdreg $0x0  }
0xa9: {  	s5 =	sshll.u32 s28, $0x1;
	[dreg:$0x2] =	wrdreg s4  }
0xaa: {  	[dreg:$0x3] =	wrdreg s5  }
0xab: {  	[dreg:$0x4] =	wrdreg $0xC0  }
0xac: {  	_ =	task [dreg:s8], $0x5FFFF  }
0xad: {  	[dreg:$0x1] =	wrdreg $0xFFFFFFFF  }
0xae: {  	[dreg:$0x0] =	wrdreg $0x60  }
0xaf: {  	[dreg:$0x2] =	wrdreg s2  }
0xb0: {  	[dreg:$0x3] =	wrdreg s19  }
0xb1: {  	[dreg:$0x4] =	wrdreg $0x9  }
0xb2: {  	_ =	task.clear_ibuf [dreg:s8], $0x5FFFF;
	_ =	strace $0x90000046  }
0xb3: {  	s29 =	simm.s32 $0x9;
	_ =	strace $0x80000048  }
0xb4: {  	_ =	swait.ge [sflag:s29], $0x1  }
0xb5: {  	[sflag:s29] =	ssyncadd.s32 $0xFFFFFFFF  }
0xb6: {  	_ =	strace $0x90000048  }
0xb7: {  	_ =	sfence  }
0xb8: {  	s30 =	sld [smem:$0x0];
	_ =	sdelay $0x2  }
0xb9: {  	s31 =	sshll.u32 s1, $0xD;
	s1 =	sshrl.u32 s1, $0x2  }
0xba: {  	s3 =	sand.u32 $0x4000, s31;
	s1 =	sadd.s32 s1, s30  }
0xbb: {  	s0 =	sor.u32 s3, s0;
	s1 =	sshll.u32 s1, $0x11  }
0xbc: {  	s0 =	sor.u32 s1, s0  }
0xbd: {  	s0 =	sadd.s32 $0x8F2B, s0  }
0xbe: {  	[sflag:s0] =	ssyncadd.remote.s32 $0x1  }
0xbf: {  	_ =	sfence.sel $0xFFFF  }
0xc0: {  	[dreg:$0x0] =	wrdreg $0xFFFFFFFF;
	(pc) =	sbr.abs _section_cstart, $3  }
0xc1: {  	[dreg:$0x1] =	wrdreg $0xFFFFFFFF  }
0xc2: {  	_ =	task.clear_ibuf [dreg:s8], $0x2FFFF;
	_ =	strace $0x9FFFFFFF  }
0xc3: {  	(tm) =	ssettm $0x7FFFFFFF  }
tec
execute0_lowered:
.L_overlay_start_1:
0x0: {  	(tag) =	ssettag $0x1  }
0x1: {  	s1 =	srdreg.scid;
	s0 =	stileid.u32  }
0x2: {  	s6 =	sand.u32 $0x1, s1;
	s29 =	sshll.u32 s0, $0x1  }
0x3: {  	s7 =	sor.u32 s6, s29  }
0x4: {  	s1 =	smul.u32 $0x28, s7;
	_ =	sdelay $0x1  }
0x5: {  	s2 =	sor.u32 $0x1, s1  }
0x6: {  	s3 =	smul.u32 $0xCCD, s2  }
0x7: {  	s4 =	rddreg [dreg:$0x1];
	s11 =	simm.s32 $0x800;
	s12 =	simm.s32 $0x20000  }
0x8: {  	s13 =	simm.s32 $0xA000;
	s14 =	simm.s32 $0x1;
	s3 =	sshrl.u32 s3, $0x10  }
0x9: {  	s15 =	simm.s32 $0x14000;
	s16 =	simm.s32 $0x2;
	s5 =	smul.u32 $0x14, s3  }
0xa: {  	s17 =	simm.s32 $0x16000;
	s18 =	simm.s32 $0x3;
	s19 =	simm.s32 $0x4  }
0xb: {  	s20 =	simm.s32 $0x0;
	s6 =	ssub.s32 $0x2, s6;
	s8 =	ssub.s32 s2, s5  }
0xc: {  	s9 =	sshll.u32 s7, $0xC;
	s10 =	sshrl.u32 s6, $0x1;
	s8 =	smul.u32 $0x280000, s8  }
.Ltmp0:
0xd: {  	s30 =	sshll.u32 s7, $0x9;
	s10 =	ssub.s32 s6, s10;
	(pc) =	sbr.rel .LBB2_1-.Ltmp0, $4  }
0xe: {  	s10 =	smax.u32 s10, $0x1;
	s3 =	rddreg [dreg:$0x0];
	s5 =	simm.s32 $0x0  }
0xf: {  	s6 =	sadd.s32 s3, s30;
	[smem:$0x7FF] =	sst s5;
	s8 =	sor.u32 s9, s8  }
0x10: {  	s2 =	rddreg [dreg:$0x2];
	_ =	strace $0x80000047;
	s31 =	sshrl.u32 s8, $0x3  }
0x11: {  	s9 =	sor.u32 $0x3, s1;
	s8 =	sor.u32 $0x2, s1;
	s7 =	sadd.s32 s3, s31  }
.LBB2_8:
0x12: {  	s20 =	sadd.s32 $0x1, s20  }
0x13: {  	_ =	swait.ge [sflag:s18], $0x2000;
	p0 =	sne.s32 s20, s10  }
.Ltmp1:
0x14: {  	[sflag:s18] =	ssyncset.done $0x0;
	(pc) =	sbr.rel @!p0 .LBB2_9-.Ltmp1, $4  }
0x15: {  	[sflag:s18] =	ssyncadd.s32 $0xFFFFE000  }
0x16: {  	_ =	swait.ge [sflag:s19], $0x2000  }
0x17: {  	[sflag:s19] =	ssyncset.done $0x0  }
0x18: {  	[sflag:s19] =	ssyncadd.s32 $0xFFFFE000  }
.LBB2_1:
0x19: {  	[tilespmem:s5], [sflag:$0x1] =	stream.strided.gather [hbm4b:s6+s11], $0xA000, s12, s11, $0x38;
	[tilespmem:$0x18000] =	vst v63  }
0x1a: {  	s21 =	simm.s32 $0x0  }
0x1b: {  	[tilespmem:s13], [sflag:$0x2] =	stream.strided.gather [hbm4b:s7+s11], $0xA000, s12, s11, $0x38;
	[tilespmem:$0x18000] =	vst v63  }
.LBB2_2:
0x1c: {  	_ =	swait.ge [sflag:s14], $0xA000  }
0x1d: {  	p1 =	seq.s32 s21, $0x0;
	[sflag:s14] =	ssyncset.done $0x0  }
0x1e: {  	s22 =	simm.s32 @!p1 $0x3;
	[sflag:s14] =	ssyncadd.s32 $0xFFFF6000  }
0x1f: {  	s23 =	simm.s32 $0x0;
	_ =	swait.ge @!p1 [sflag:s22], $0x2000  }
0x20: {  	s24 =	sand.u32 $0x1800, s23;
	s23 =	sand.u32 $0x380, s23;
	[sflag:s22] =	ssyncset.done @!p1 $0x0  }
0x21: {  	s23 =	sor.u32 s23, s24;
	[sflag:s22] =	ssyncadd.s32 @!p1 $0xFFFFE000  }
0x22: {  	v0 =	vld [tilespmem:s23+$0x470]  }
0x23: {  	v1 =	vld [tilespmem:s23+$0x2470]  }
0x24: {  	v2 =	vld [tilespmem:s23+$0x0]  }
0x25: {  	v3 =	vld [tilespmem:s23+$0x4470]  }
0x26: {  	v4 =	vld [tilespmem:s23+$0x2000]  }
0x27: {  	v5 =	vld [tilespmem:s23+$0x6470]  }
0x28: {  	v6 =	vld [tilespmem:s23+$0x10]  }
0x29: {  	v7 =	vld [tilespmem:s23+$0x2010]  }
0x2a: {  	v8 =	vld [tilespmem:s23+$0x2020]  }
0x2b: {  	v9 =	vld [tilespmem:s23+$0x2030]  }
0x2c: {  	v10 =	vld [tilespmem:s23+$0x2040]  }
0x2d: {  	v11 =	vld [tilespmem:s23+$0x50]  }
0x2e: {  	v12 =	vld [tilespmem:s23+$0x2050]  }
0x2f: {  	v13 =	vld [tilespmem:s23+$0x2060]  }
0x30: {  	v14 =	vld [tilespmem:s23+$0x70]  }
0x31: {  	v15 =	vld [tilespmem:s23+$0x2070]  }
0x32: {  	v16 =	vld [tilespmem:s23+$0x400]  }
0x33: {  	v17 =	vld [tilespmem:s23+$0x2400]  }
0x34: {  	v18 =	vld [tilespmem:s23+$0x410]  }
0x35: {  	v19 =	vld [tilespmem:s23+$0x2410]  }
0x36: {  	v20 =	vld [tilespmem:s23+$0x420]  }
0x37: {  	v21 =	vld [tilespmem:s23+$0x2420]  }
0x38: {  	v22 =	vld [tilespmem:s23+$0x430]  }
0x39: {  	v23 =	vld [tilespmem:s23+$0x2430]  }
0x3a: {  	v24 =	vld [tilespmem:s23+$0x440]  }
0x3b: {  	v25 =	vld [tilespmem:s23+$0x2440]  }
0x3c: {  	v26 =	vld [tilespmem:s23+$0x450]  }
0x3d: {  	v27 =	vld [tilespmem:s23+$0x2450]  }
0x3e: {  	v28 =	vld [tilespmem:s23+$0x460]  }
0x3f: {  	v29 =	vld [tilespmem:s23+$0x2460]  }
0x40: {  	v30 =	vld [tilespmem:s23+$0x4000]  }
0x41: {  	v31 =	vld [tilespmem:s23+$0x4010]  }
0x42: {  	v32 =	vld [tilespmem:s23+$0x4020]  }
0x43: {  	v33 =	vld [tilespmem:s23+$0x4030]  }
0x44: {  	v34 =	vld [tilespmem:s23+$0x4040]  }
0x45: {  	v35 =	vld [tilespmem:s23+$0x4050]  }
0x46: {  	v36 =	vld [tilespmem:s23+$0x4060]  }
0x47: {  	v37 =	vld [tilespmem:s23+$0x4070]  }
0x48: {  	v38 =	vld [tilespmem:s23+$0x4400]  }
0x49: {  	v39 =	vld [tilespmem:s23+$0x4410]  }
0x4a: {  	v40 =	vld [tilespmem:s23+$0x4420]  }
0x4b: {  	v41 =	vld [tilespmem:s23+$0x4430]  }
0x4c: {  	v42 =	vld [tilespmem:s23+$0x4440]  }
0x4d: {  	v43 =	vld [tilespmem:s23+$0x4450]  }
0x4e: {  	v44 =	vld [tilespmem:s23+$0x4460]  }
0x4f: {  	v45 =	vld [tilespmem:s23+$0x6000]  }
0x50: {  	v46 =	vld [tilespmem:s23+$0x6010]  }
0x51: {  	v47 =	vld [tilespmem:s23+$0x6020]  }
0x52: {  	v48 =	vld [tilespmem:s23+$0x6030]  }
0x53: {  	v54 =	vld [tilespmem:s23+$0x8000];
	v0 =	vadd.f32 v1, v0  }
0x54: {  	v55 =	vld [tilespmem:s23+$0x8010];
	v2 =	vadd.f32 v4, v2  }
0x55: {  	v1 =	vld [tilespmem:s23+$0x8470];
	v6 =	vadd.f32 v7, v6;
	v0 =	vadd.f32 v3, v0  }
0x56: {  	v3 =	vld [tilespmem:s23+$0x20];
	v2 =	vadd.f32 v30, v2  }
0x57: {  	v6 =	vadd.f32 v31, v6;
	v0 =	vadd.f32 v5, v0;
	v5 =	vld [tilespmem:s23+$0x30]  }
0x58: {  	v49 =	vld [tilespmem:s23+$0x6040];
	v63 =	vadd.f32 v25, v24;
	v2 =	vadd.f32 v45, v2  }
0x59: {  	v50 =	vld [tilespmem:s23+$0x6050];
	v53 =	vadd.f32 v29, v28;
	v6 =	vadd.f32 v46, v6  }
0x5a: {  	v51 =	vld [tilespmem:s23+$0x6060];
	v0 =	vadd.f32 v1, v0;
	v2 =	vadd.f32 v54, v2  }
0x5b: {  	v52 =	vld [tilespmem:s23+$0x6070];
	v6 =	vadd.f32 v55, v6;
	v3 =	vadd.f32 v8, v3  }
0x5c: {  	v1 =	vld [tilespmem:s23+$0x40];
	v5 =	vadd.f32 v9, v5;
	v9 =	vadd.f32 v12, v11  }
0x5d: {  	v56 =	vld [tilespmem:s23+$0x8020];
	v11 =	vadd.f32 v15, v14;
	v12 =	vadd.f32 v17, v16  }
0x5e: {  	v57 =	vld [tilespmem:s23+$0x8030];
	v14 =	vadd.f32 v19, v18;
	v15 =	vadd.f32 v21, v20  }
0x5f: {  	v58 =	vld [tilespmem:s23+$0x8040];
	v17 =	vadd.f32 v23, v22;
	v20 =	vadd.f32 v27, v26  }
0x60: {  	v59 =	vld [tilespmem:s23+$0x8050];
	v3 =	vadd.f32 v32, v3;
	v18 =	vadd.f32 v42, v63  }
0x61: {  	v60 =	vld [tilespmem:s23+$0x8060];
	v0 =	vmul.f32 $2.000000030e-01, v0;
	v21 =	vadd.f32 v44, v53;
	v1 =	vadd.f32 v10, v1  }
0x62: {  	v7 =	vld [tilespmem:s23+$0x6410];
	v5 =	vadd.f32 v33, v5;
	v9 =	vadd.f32 v35, v9  }
0x63: {  	[tilespmem:s23+$0x14470] =	vst v0;
	v0 =	vld [tilespmem:s23+$0x60];
	v11 =	vadd.f32 v37, v11;
	v12 =	vadd.f32 v38, v12  }
0x64: {  	v61 =	vld [tilespmem:s23+$0x8070];
	v3 =	vadd.f32 v47, v3;
	v14 =	vadd.f32 v39, v14  }
0x65: {  	v62 =	vld [tilespmem:s23+$0x8400];
	v15 =	vadd.f32 v40, v15;
	v17 =	vadd.f32 v41, v17  }
0x66: {  	v4 =	vld [tilespmem:s23+$0x6400];
	v2 =	vmul.f32 $2.000000030e-01, v2;
	v20 =	vadd.f32 v43, v20;
	v1 =	vadd.f32 v34, v1  }
0x67: {  	v8 =	vld [tilespmem:s23+$0x6420];
	v5 =	vadd.f32 v48, v5;
	v3 =	vadd.f32 v56, v3  }
0x68: {  	v16 =	vld [tilespmem:s23+$0x6450];
	[tilespmem:s23+$0x14000] =	vst v2;
	v2 =	vmul.f32 $2.000000030e-01, v6;
	v14 =	vadd.f32 v7, v14;
	v0 =	vadd.f32 v13, v0  }
0x69: {  	v10 =	vld [tilespmem:s23+$0x6430];
	v1 =	vadd.f32 v49, v1;
	v6 =	vadd.f32 v57, v5  }
0x6a: {  	v19 =	vld [tilespmem:s23+$0x6460];
	[tilespmem:s23+$0x14010] =	vst v2;
	v2 =	vmul.f32 $2.000000030e-01, v3;
	v3 =	vadd.f32 v50, v9;
	v0 =	vadd.f32 v36, v0  }
0x6b: {  	v13 =	vld [tilespmem:s23+$0x6440];
	v9 =	vadd.f32 v52, v11;
	v11 =	vadd.f32 v4, v12  }
0x6c: {  	v63 =	vld [tilespmem:s23+$0x8410];
	v1 =	vadd.f32 v58, v1;
	v0 =	vadd.f32 v51, v0  }
0x6d: {  	v5 =	vld [tilespmem:s23+$0x8420];
	v4 =	vadd.f32 v8, v15;
	[tilespmem:s23+$0x14020] =	vst v2;
	v2 =	vmul.f32 $2.000000030e-01, v6;
	v12 =	vadd.f32 v59, v3  }
0x6e: {  	v6 =	vld [tilespmem:s23+$0x8430];
	v3 =	vadd.f32 v10, v17;
	v1 =	vmul.f32 $2.000000030e-01, v1;
	v10 =	vadd.f32 v60, v0  }
0x6f: {  	s31 =	simm.s32 $0x100;
	s24 =	simm.s32 $0x80;
	v7 =	vld [tilespmem:s23+$0x8440];
	v9 =	vadd.f32 v61, v9;
	v11 =	vadd.f32 v62, v11;
	[tilespmem:s23+$0x14030] =	vst v2;
	v12 =	vmul.f32 $2.000000030e-01, v12  }
0x70: {  	s25 =	sand.u32 $0x1800, s31;
	s26 =	sand.u32 $0x380, s24;
	v8 =	vld [tilespmem:s23+$0x8450];
	v2 =	vadd.f32 v13, v18;
	[tilespmem:s23+$0x14040] =	vst v1;
	v1 =	vadd.f32 v16, v20;
	v10 =	vmul.f32 $2.000000030e-01, v10  }
0x71: {  	s26 =	sor.u32 s26, s25;
	s25 =	simm.s32 $0x200;
	s22 =	sshll.u32 s21, $0x1;
	v13 =	vmul.f32 $2.000000030e-01, v9;
	v9 =	vld [tilespmem:s23+$0x8460];
	v0 =	vadd.f32 v19, v21;
	[tilespmem:s23+$0x14050] =	vst v12;
	v12 =	vadd.f32 v63, v14  }
.LBB2_3:
0x72: {  	p0 =	sne.s32 s25, $0x1F00;
	v14 =	vld [tilespmem:s26+$0x470];
	[tilespmem:s23+$0x14060] =	vst v10;
	v10 =	vmul.f32 $2.000000030e-01, v11;
	v4 =	vadd.f32 v5, v4  }
0x73: {  	v5 =	vld [tilespmem:s26+$0x2470];
	[tilespmem:s23+$0x14070] =	vst v13;
	v11 =	vmul.f32 $2.000000030e-01, v12;
	v3 =	vadd.f32 v6, v3  }
0x74: {  	v6 =	vld [tilespmem:s26+$0x0];
	[tilespmem:s23+$0x14400] =	vst v10;
	v4 =	vmul.f32 $2.000000030e-01, v4;
	v2 =	vadd.f32 v7, v2  }
0x75: {  	v7 =	vld [tilespmem:s26+$0x4470];
	[tilespmem:s23+$0x14410] =	vst v11;
	v3 =	vmul.f32 $2.000000030e-01, v3;
	v1 =	vadd.f32 v8, v1  }
0x76: {  	v8 =	vld [tilespmem:s26+$0x2000];
	[tilespmem:s23+$0x14420] =	vst v4;
	v2 =	vmul.f32 $2.000000030e-01, v2;
	v0 =	vadd.f32 v9, v0  }
0x77: {  	v4 =	vld [tilespmem:s26+$0x6470];
	[tilespmem:s23+$0x14430] =	vst v3;
	v1 =	vmul.f32 $2.000000030e-01, v1  }
0x78: {  	v3 =	vld [tilespmem:s26+$0x10];
	v5 =	vadd.f32 v5, v14;
	[tilespmem:s23+$0x14440] =	vst v2;
	v0 =	vmul.f32 $2.000000030e-01, v0  }
0x79: {  	v2 =	vld [tilespmem:s26+$0x8470];
	[tilespmem:s23+$0x14450] =	vst v1  }
0x7a: {  	v1 =	vld [tilespmem:s26+$0x2010];
	v5 =	vadd.f32 v7, v5;
	[tilespmem:s23+$0x14460] =	vst v0;
	s23 =	smov.u32 s26  }
0x7b: {  	v0 =	vadd.f32 v8, v6;
	v6 =	vld [tilespmem:s23+$0x20]  }
0x7c: {  	v7 =	vld [tilespmem:s23+$0x2020];
	v4 =	vadd.f32 v4, v5  }
0x7d: {  	v5 =	vld [tilespmem:s23+$0x30]  }
0x7e: {  	v8 =	vld [tilespmem:s23+$0x2030];
	v2 =	vadd.f32 v2, v4  }
0x7f: {  	v1 =	vadd.f32 v1, v3;
	v3 =	vld [tilespmem:s23+$0x40]  }
0x80: {  	v4 =	vld [tilespmem:s23+$0x2040];
	v2 =	vmul.f32 $2.000000030e-01, v2  }
0x81: {  	v6 =	vadd.f32 v7, v6;
	v7 =	vld [tilespmem:s23+$0x50]  }
0x82: {  	v9 =	vld [tilespmem:s23+$0x2050];
	[tilespmem:s23+$0x14470] =	vst v2  }
0x83: {  	v2 =	vadd.f32 v8, v5;
	v5 =	vld [tilespmem:s23+$0x60]  }
0x84: {  	v8 =	vld [tilespmem:s23+$0x2060]  }
0x85: {  	v3 =	vadd.f32 v4, v3;
	v4 =	vld [tilespmem:s23+$0x70]  }
0x86: {  	v10 =	vld [tilespmem:s23+$0x2070]  }
0x87: {  	v7 =	vadd.f32 v9, v7;
	v9 =	vld [tilespmem:s23+$0x400]  }
0x88: {  	v11 =	vld [tilespmem:s23+$0x2400]  }
0x89: {  	v5 =	vadd.f32 v8, v5;
	v8 =	vld [tilespmem:s23+$0x410]  }
0x8a: {  	v12 =	vld [tilespmem:s23+$0x2410]  }
0x8b: {  	v4 =	vadd.f32 v10, v4;
	v10 =	vld [tilespmem:s23+$0x420]  }
0x8c: {  	v13 =	vld [tilespmem:s23+$0x2420]  }
0x8d: {  	v9 =	vadd.f32 v11, v9;
	v11 =	vld [tilespmem:s23+$0x430]  }
0x8e: {  	v14 =	vld [tilespmem:s23+$0x2430]  }
0x8f: {  	v8 =	vadd.f32 v12, v8;
	v12 =	vld [tilespmem:s23+$0x440]  }
0x90: {  	v15 =	vld [tilespmem:s23+$0x2440]  }
0x91: {  	v10 =	vadd.f32 v13, v10;
	v13 =	vld [tilespmem:s23+$0x450]  }
0x92: {  	v16 =	vld [tilespmem:s23+$0x2450]  }
0x93: {  	v11 =	vadd.f32 v14, v11;
	v14 =	vld [tilespmem:s23+$0x460]  }
0x94: {  	v17 =	vld [tilespmem:s23+$0x2460]  }
0x95: {  	v18 =	vld [tilespmem:s23+$0x4000];
	v12 =	vadd.f32 v15, v12  }
0x96: {  	v15 =	vld [tilespmem:s23+$0x4010]  }
0x97: {  	v19 =	vld [tilespmem:s23+$0x4020];
	v13 =	vadd.f32 v16, v13  }
0x98: {  	v16 =	vld [tilespmem:s23+$0x4030]  }
0x99: {  	v20 =	vld [tilespmem:s23+$0x4040];
	v14 =	vadd.f32 v17, v14  }
0x9a: {  	v0 =	vadd.f32 v18, v0;
	v17 =	vld [tilespmem:s23+$0x4050]  }
0x9b: {  	v1 =	vadd.f32 v15, v1;
	v15 =	vld [tilespmem:s23+$0x4060]  }
0x9c: {  	v6 =	vadd.f32 v19, v6;
	v18 =	vld [tilespmem:s23+$0x4070]  }
0x9d: {  	v2 =	vadd.f32 v16, v2;
	v16 =	vld [tilespmem:s23+$0x4400]  }
0x9e: {  	v3 =	vadd.f32 v20, v3;
	v19 =	vld [tilespmem:s23+$0x4410]  }
0x9f: {  	v7 =	vadd.f32 v17, v7;
	v17 =	vld [tilespmem:s23+$0x4420]  }
0xa0: {  	v5 =	vadd.f32 v15, v5;
	v15 =	vld [tilespmem:s23+$0x4430]  }
0xa1: {  	v4 =	vadd.f32 v18, v4;
	v18 =	vld [tilespmem:s23+$0x4440]  }
0xa2: {  	v9 =	vadd.f32 v16, v9;
	v16 =	vld [tilespmem:s23+$0x4450]  }
0xa3: {  	v8 =	vadd.f32 v19, v8;
	v19 =	vld [tilespmem:s23+$0x4460]  }
0xa4: {  	v20 =	vld [tilespmem:s23+$0x6000];
	v10 =	vadd.f32 v17, v10  }
0xa5: {  	v17 =	vld [tilespmem:s23+$0x6010];
	v11 =	vadd.f32 v15, v11  }
0xa6: {  	v15 =	vld [tilespmem:s23+$0x6020];
	v12 =	vadd.f32 v18, v12  }
0xa7: {  	v18 =	vld [tilespmem:s23+$0x6030];
	v13 =	vadd.f32 v16, v13  }
0xa8: {  	v16 =	vld [tilespmem:s23+$0x6040];
	v14 =	vadd.f32 v19, v14  }
0xa9: {  	v19 =	vadd.f32 v20, v0;
	v0 =	vld [tilespmem:s23+$0x6050]  }
0xaa: {  	v17 =	vadd.f32 v17, v1;
	v1 =	vld [tilespmem:s23+$0x6060]  }
0xab: {  	v6 =	vadd.f32 v15, v6;
	v15 =	vld [tilespmem:s23+$0x6070]  }
0xac: {  	v18 =	vadd.f32 v18, v2;
	v2 =	vld [tilespmem:s23+$0x6400]  }
0xad: {  	v16 =	vadd.f32 v16, v3;
	v3 =	vld [tilespmem:s23+$0x6410]  }
0xae: {  	v7 =	vadd.f32 v0, v7;
	v0 =	vld [tilespmem:s23+$0x6420]  }
0xaf: {  	v20 =	vadd.f32 v1, v5;
	v1 =	vld [tilespmem:s23+$0x6430]  }
0xb0: {  	v15 =	vadd.f32 v15, v4;
	v5 =	vld [tilespmem:s23+$0x6440]  }
0xb1: {  	v9 =	vadd.f32 v2, v9;
	v21 =	vld [tilespmem:s23+$0x6450]  }
0xb2: {  	v22 =	vadd.f32 v3, v8;
	v8 =	vld [tilespmem:s23+$0x6460]  }
0xb3: {  	v23 =	vld [tilespmem:s23+$0x8000];
	v4 =	vadd.f32 v0, v10  }
0xb4: {  	v10 =	vld [tilespmem:s23+$0x8010];
	v3 =	vadd.f32 v1, v11  }
0xb5: {  	v11 =	vld [tilespmem:s23+$0x8020];
	v2 =	vadd.f32 v5, v12  }
0xb6: {  	v5 =	vld [tilespmem:s23+$0x8030];
	v1 =	vadd.f32 v21, v13  }
0xb7: {  	v12 =	vld [tilespmem:s23+$0x8040];
	v0 =	vadd.f32 v8, v14  }
0xb8: {  	v8 =	vadd.f32 v23, v19;
	v13 =	vld [tilespmem:s23+$0x8050]  }
0xb9: {  	v10 =	vadd.f32 v10, v17;
	v14 =	vld [tilespmem:s23+$0x8060]  }
0xba: {  	v8 =	vmul.f32 $2.000000030e-01, v8;
	v6 =	vadd.f32 v11, v6;
	v11 =	vld [tilespmem:s23+$0x8070]  }
0xbb: {  	v10 =	vmul.f32 $2.000000030e-01, v10;
	v5 =	vadd.f32 v5, v18;
	v17 =	vld [tilespmem:s23+$0x8400]  }
0xbc: {  	[tilespmem:s23+$0x14000] =	vst v8;
	v6 =	vmul.f32 $2.000000030e-01, v6;
	v8 =	vadd.f32 v12, v16;
	v12 =	vld [tilespmem:s23+$0x8410]  }
.Ltmp2:
0xbd: {  	[tilespmem:s23+$0x14010] =	vst v10;
	v10 =	vmul.f32 $2.000000030e-01, v5;
	v7 =	vadd.f32 v13, v7;
	v5 =	vld [tilespmem:s23+$0x8420];
	(pc) =	sbr.rel @p0 .LBB2_3-.Ltmp2, $4  }
0xbe: {  	[tilespmem:s23+$0x14020] =	vst v6;
	v8 =	vmul.f32 $2.000000030e-01, v8;
	v13 =	vadd.f32 v14, v20;
	v6 =	vld [tilespmem:s23+$0x8430]  }
0xbf: {  	s24 =	sadd.s32 $0x80, s24;
	[tilespmem:s23+$0x14030] =	vst v10;
	v14 =	vmul.f32 $2.000000030e-01, v7;
	v15 =	vadd.f32 v11, v15;
	v7 =	vld [tilespmem:s23+$0x8440]  }
0xc0: {  	s28 =	sand.u32 $0x380, s24;
	s26 =	sand.u32 $0x1800, s25;
	[tilespmem:s23+$0x14040] =	vst v8;
	v10 =	vmul.f32 $2.000000030e-01, v13;
	v11 =	vadd.f32 v17, v9;
	v8 =	vld [tilespmem:s23+$0x8450]  }
0xc1: {  	s25 =	sadd.s32 $0x100, s25;
	s26 =	sor.u32 s28, s26;
	[tilespmem:s23+$0x14050] =	vst v14;
	v13 =	vmul.f32 $2.000000030e-01, v15;
	v12 =	vadd.f32 v12, v22;
	v9 =	vld [tilespmem:s23+$0x8460]  }
0xc2: {  	v14 =	vld [tilespmem:s26+$0x470];
	[tilespmem:s23+$0x14060] =	vst v10;
	v11 =	vmul.f32 $2.000000030e-01, v11;
	v4 =	vadd.f32 v5, v4  }
0xc3: {  	v10 =	vld [tilespmem:s26+$0x2470];
	[tilespmem:s23+$0x14070] =	vst v13;
	v5 =	vmul.f32 $2.000000030e-01, v12;
	v3 =	vadd.f32 v6, v3  }
0xc4: {  	v13 =	vld [tilespmem:s26+$0x0];
	[tilespmem:s23+$0x14400] =	vst v11;
	v4 =	vmul.f32 $2.000000030e-01, v4;
	v2 =	vadd.f32 v7, v2  }
0xc5: {  	v11 =	vld [tilespmem:s26+$0x4470];
	[tilespmem:s23+$0x14410] =	vst v5;
	v3 =	vmul.f32 $2.000000030e-01, v3;
	v1 =	vadd.f32 v8, v1  }
0xc6: {  	v5 =	vld [tilespmem:s26+$0x2000];
	[tilespmem:s23+$0x14420] =	vst v4;
	v2 =	vmul.f32 $2.000000030e-01, v2;
	v0 =	vadd.f32 v9, v0  }
0xc7: {  	v4 =	vld [tilespmem:s26+$0x6470];
	[tilespmem:s23+$0x14430] =	vst v3;
	v1 =	vmul.f32 $2.000000030e-01, v1  }
0xc8: {  	v3 =	vld [tilespmem:s26+$0x10];
	[tilespmem:s23+$0x14440] =	vst v2;
	v0 =	vmul.f32 $2.000000030e-01, v0  }
0xc9: {  	v2 =	vld [tilespmem:s26+$0x8470];
	[tilespmem:s23+$0x14450] =	vst v1;
	v1 =	vadd.f32 v10, v14  }
0xca: {  	v6 =	vld [tilespmem:s26+$0x2010];
	[tilespmem:s23+$0x14460] =	vst v0  }
0xcb: {  	v0 =	vadd.f32 v11, v1;
	v1 =	vld [tilespmem:s26+$0x20]  }
0xcc: {  	v7 =	vld [tilespmem:s26+$0x2020]  }
0xcd: {  	v8 =	vld [tilespmem:s26+$0x2030]  }
0xce: {  	v9 =	vld [tilespmem:s26+$0x2040]  }
0xcf: {  	v10 =	vld [tilespmem:s26+$0x50]  }
0xd0: {  	v11 =	vld [tilespmem:s26+$0x2050]  }
0xd1: {  	v12 =	vld [tilespmem:s26+$0x2060]  }
0xd2: {  	v14 =	vld [tilespmem:s26+$0x70]  }
0xd3: {  	v15 =	vld [tilespmem:s26+$0x2070]  }
0xd4: {  	v16 =	vld [tilespmem:s26+$0x400]  }
0xd5: {  	v17 =	vld [tilespmem:s26+$0x2400]  }
0xd6: {  	v18 =	vld [tilespmem:s26+$0x410]  }
0xd7: {  	v19 =	vld [tilespmem:s26+$0x2410]  }
0xd8: {  	v20 =	vld [tilespmem:s26+$0x420]  }
0xd9: {  	v21 =	vld [tilespmem:s26+$0x2420]  }
0xda: {  	v22 =	vld [tilespmem:s26+$0x430]  }
0xdb: {  	v23 =	vld [tilespmem:s26+$0x2430]  }
0xdc: {  	v24 =	vld [tilespmem:s26+$0x440]  }
0xdd: {  	v25 =	vld [tilespmem:s26+$0x2440]  }
0xde: {  	v26 =	vld [tilespmem:s26+$0x450]  }
0xdf: {  	v27 =	vld [tilespmem:s26+$0x2450]  }
0xe0: {  	v28 =	vld [tilespmem:s26+$0x460]  }
0xe1: {  	v29 =	vld [tilespmem:s26+$0x2460]  }
0xe2: {  	v30 =	vld [tilespmem:s26+$0x4000]  }
0xe3: {  	v31 =	vld [tilespmem:s26+$0x4010]  }
0xe4: {  	v32 =	vld [tilespmem:s26+$0x4020]  }
0xe5: {  	v33 =	vld [tilespmem:s26+$0x4030]  }
0xe6: {  	v34 =	vld [tilespmem:s26+$0x4040]  }
0xe7: {  	v35 =	vld [tilespmem:s26+$0x4050]  }
0xe8: {  	v36 =	vld [tilespmem:s26+$0x4060]  }
0xe9: {  	v37 =	vld [tilespmem:s26+$0x4070]  }
0xea: {  	v38 =	vld [tilespmem:s26+$0x4400]  }
0xeb: {  	v39 =	vld [tilespmem:s26+$0x4410]  }
0xec: {  	v40 =	vld [tilespmem:s26+$0x4420]  }
0xed: {  	v41 =	vld [tilespmem:s26+$0x4430]  }
0xee: {  	v42 =	vld [tilespmem:s26+$0x4440]  }
0xef: {  	v43 =	vld [tilespmem:s26+$0x4450]  }
0xf0: {  	v44 =	vld [tilespmem:s26+$0x4460]  }
0xf1: {  	v45 =	vld [tilespmem:s26+$0x6000]  }
0xf2: {  	v46 =	vld [tilespmem:s26+$0x6010]  }
0xf3: {  	v47 =	vld [tilespmem:s26+$0x6020]  }
0xf4: {  	v48 =	vld [tilespmem:s26+$0x6030]  }
0xf5: {  	v49 =	vld [tilespmem:s26+$0x6040]  }
0xf6: {  	v50 =	vld [tilespmem:s26+$0x6050];
	v0 =	vadd.f32 v4, v0  }
0xf7: {  	v51 =	vld [tilespmem:s26+$0x6060];
	v5 =	vadd.f32 v5, v13  }
0xf8: {  	v4 =	vld [tilespmem:s26+$0x30];
	v0 =	vadd.f32 v2, v0;
	v3 =	vadd.f32 v6, v3  }
0xf9: {  	v52 =	vld [tilespmem:s26+$0x6070];
	v1 =	vadd.f32 v7, v1;
	v13 =	vadd.f32 v19, v18  }
0xfa: {  	v53 =	vld [tilespmem:s26+$0x6400];
	v59 =	vadd.f32 v23, v22;
	v61 =	vadd.f32 v25, v24  }
0xfb: {  	v2 =	vld [tilespmem:s26+$0x40];
	v5 =	vadd.f32 v30, v5;
	v63 =	vadd.f32 v27, v26  }
0xfc: {  	v60 =	vld [tilespmem:s26+$0x8000];
	v29 =	vadd.f32 v29, v28;
	v3 =	vadd.f32 v31, v3  }
0xfd: {  	v54 =	vld [tilespmem:s26+$0x6410];
	v4 =	vadd.f32 v8, v4;
	v8 =	vadd.f32 v11, v10  }
0xfe: {  	v62 =	vld [tilespmem:s26+$0x8010];
	v10 =	vadd.f32 v15, v14;
	v15 =	vadd.f32 v21, v20  }
0xff: {  	v55 =	vld [tilespmem:s26+$0x8050];
	v5 =	vadd.f32 v45, v5;
	v1 =	vadd.f32 v32, v1  }
0x100: {  	v30 =	vld [tilespmem:s26+$0x8020];
	v0 =	vmul.f32 $2.000000030e-01, v0;
	v3 =	vadd.f32 v46, v3;
	v2 =	vadd.f32 v9, v2  }
0x101: {  	v56 =	vld [tilespmem:s26+$0x8060];
	v4 =	vadd.f32 v33, v4;
	v5 =	vadd.f32 v60, v5  }
0x102: {  	[tilespmem:s26+$0x14470] =	vst v0;
	v0 =	vld [tilespmem:s26+$0x60];
	v8 =	vadd.f32 v35, v8;
	v1 =	vadd.f32 v47, v1  }
0x103: {  	v31 =	vld [tilespmem:s26+$0x8030];
	v10 =	vadd.f32 v37, v10;
	v60 =	vadd.f32 v43, v63  }
0x104: {  	v57 =	vld [tilespmem:s26+$0x8070];
	v3 =	vadd.f32 v62, v3;
	v2 =	vadd.f32 v34, v2  }
0x105: {  	v58 =	vld [tilespmem:s26+$0x8400];
	v4 =	vadd.f32 v48, v4;
	v1 =	vadd.f32 v30, v1  }
0x106: {  	v45 =	vld [tilespmem:s26+$0x8040];
	v8 =	vadd.f32 v50, v8;
	v10 =	vadd.f32 v52, v10  }
0x107: {  	v6 =	vld [tilespmem:s26+$0x6420];
	v0 =	vadd.f32 v12, v0;
	v12 =	vadd.f32 v17, v16  }
0x108: {  	v7 =	vld [tilespmem:s26+$0x6430];
	v3 =	vmul.f32 $2.000000030e-01, v3;
	v2 =	vadd.f32 v49, v2;
	v4 =	vadd.f32 v31, v4  }
0x109: {  	v11 =	vld [tilespmem:s26+$0x6450];
	v5 =	vmul.f32 $2.000000030e-01, v5;
	v8 =	vadd.f32 v55, v8;
	v10 =	vadd.f32 v57, v10  }
0x10a: {  	v14 =	vld [tilespmem:s26+$0x6460];
	[tilespmem:s26+$0x14010] =	vst v3;
	v3 =	vadd.f32 v40, v15;
	v0 =	vadd.f32 v36, v0  }
0x10b: {  	v9 =	vld [tilespmem:s26+$0x6440];
	[tilespmem:s26+$0x14000] =	vst v5;
	v1 =	vmul.f32 $2.000000030e-01, v1;
	v5 =	vadd.f32 v38, v12;
	v2 =	vadd.f32 v45, v2  }
0x10c: {  	v12 =	vadd.f32 v39, v13;
	v13 =	vld [tilespmem:s26+$0x8410];
	v0 =	vadd.f32 v51, v0  }
0x10d: {  	v15 =	vadd.f32 v41, v59;
	v59 =	vld [tilespmem:s26+$0x8420];
	[tilespmem:s26+$0x14020] =	vst v1;
	v1 =	vadd.f32 v42, v61;
	v2 =	vmul.f32 $2.000000030e-01, v2  }
0x10e: {  	v4 =	vmul.f32 $2.000000030e-01, v4;
	v61 =	vld [tilespmem:s26+$0x8430];
	v5 =	vadd.f32 v53, v5;
	v0 =	vadd.f32 v56, v0  }
0x10f: {  	v62 =	vld [tilespmem:s26+$0x8440];
	v8 =	vmul.f32 $2.000000030e-01, v8;
	v3 =	vadd.f32 v6, v3;
	[tilespmem:s26+$0x14040] =	vst v2;
	v2 =	vadd.f32 v54, v12  }
0x110: {  	v6 =	vadd.f32 v7, v15;
	[tilespmem:s26+$0x14030] =	vst v4;
	v12 =	vld [tilespmem:s26+$0x8450];
	v5 =	vadd.f32 v58, v5;
	v0 =	vmul.f32 $2.000000030e-01, v0  }
0x111: {  	v7 =	vmul.f32 $2.000000030e-01, v10;
	v4 =	vadd.f32 v44, v29;
	[tilespmem:s26+$0x14050] =	vst v8;
	v8 =	vld [tilespmem:s26+$0x8460];
	v2 =	vadd.f32 v13, v2  }
0x112: {  	s31 =	sadd.s32 s1, s22;
	v1 =	vadd.f32 v9, v1;
	v3 =	vadd.f32 v59, v3;
	[tilespmem:s26+$0x14060] =	vst v0;
	v0 =	vmul.f32 $2.000000030e-01, v5  }
0x113: {  	s24 =	smulhi.u32 $0x66666667, s31;
	[tilespmem:s26+$0x14070] =	vst v7;
	v6 =	vadd.f32 v61, v6;
	v5 =	vadd.f32 v11, v60;
	v2 =	vmul.f32 $2.000000030e-01, v2  }
0x114: {  	v4 =	vadd.f32 v14, v4;
	v1 =	vadd.f32 v62, v1;
	[tilespmem:s26+$0x14400] =	vst v0;
	v0 =	vmul.f32 $2.000000030e-01, v3  }
0x115: {  	p0 =	seq.s32 s21, $0x13;
	s24 =	sshrl.u32 s24, $0x3;
	[tilespmem:s26+$0x14410] =	vst v2;
	v2 =	vmul.f32 $2.000000030e-01, v6;
	v3 =	vadd.f32 v12, v5  }
0x116: {  	s28 =	sadd.s32 @!p0 s22, s8;
	s25 =	smul.u32 $0x14, s24;
	[tilespmem:s26+$0x14420] =	vst v0;
	v0 =	vmul.f32 $2.000000030e-01, v1;
	v1 =	vadd.f32 v8, v4  }
0x117: {  	s29 =	smulhi.u32 @!p0 $0x66666667, s28;
	[tilespmem:s26+$0x14430] =	vst v2;
	v2 =	vmul.f32 $2.000000030e-01, v3  }
0x118: {  	s24 =	sshll.u32 s24, $0x8;
	s23 =	ssub.s32 s31, s25;
	[tilespmem:s26+$0x14440] =	vst v0;
	v0 =	vmul.f32 $2.000000030e-01, v1  }
0x119: {  	s24 =	sadd.s32 s4, s24;
	s25 =	sshrl.u32 @!p0 s29, $0x3;
	s23 =	sshll.u32 s23, $0x10;
	[tilespmem:s26+$0x14450] =	vst v2  }
0x11a: {  	s23 =	sadd.s32 s23, s24;
	s24 =	smul.u32 @!p0 $0x14, s25;
	[tilespmem:s26+$0x14460] =	vst v0  }
0x11b: {  	[hbm4b:s23+s11] =	stream.strided.scatter [tilespmem:s15], [sflag:$0x3], $0x2000, s12, s11, $0x38;
	[tilespmem:$0x18000] =	vst v63  }
0x11c: {  	s23 =	ssub.s32 @!p0 s28, s24  }
0x11d: {  	s23 =	smul.u32 @!p0 $0x280000, s23  }
0x11e: {  	s24 =	sshll.u32 @!p0 s25, $0xB  }
0x11f: {  	s23 =	sadd.s32 @!p0 s24, s23  }
0x120: {  	s26 =	simm.s32 @!p0 $0x0;
	s23 =	sshrl.u32 @!p0 s23, $0x3  }
0x121: {  	s25 =	simm.s32 @!p0 $0x20000;
	s24 =	simm.s32 @!p0 $0x800;
	s23 =	sadd.s32 @!p0 s3, s23  }
0x122: {  	[tilespmem:s26], [sflag:$0x1] =	stream.strided.gather @!p0 [hbm4b:s23+s24], $0xA000, s25, s24, $0x38;
	[tilespmem:$0x18000] =	vst v63  }
0x123: {  	_ =	swait.ge [sflag:s16], $0xA000  }
0x124: {  	[sflag:s16] =	ssyncset.done $0x0  }
0x125: {  	s23 =	simm.s32 @!p1 $0x4;
	[sflag:s16] =	ssyncadd.s32 $0xFFFF6000  }
0x126: {  	s26 =	simm.s32 $0x0;
	_ =	swait.ge @!p1 [sflag:s23], $0x2000  }
0x127: {  	s29 =	sand.u32 $0x1800, s26;
	s24 =	sand.u32 $0x380, s26;
	[sflag:s23] =	ssyncset.done @!p1 $0x0  }
0x128: {  	[sflag:s23] =	ssyncadd.s32 @!p1 $0xFFFFE000;
	s23 =	sor.u32 s24, s29  }
0x129: {  	v0 =	vld [tilespmem:s23+$0xA470]  }
0x12a: {  	v1 =	vld [tilespmem:s23+$0xC470]  }
0x12b: {  	v2 =	vld [tilespmem:s23+$0xA000]  }
0x12c: {  	v3 =	vld [tilespmem:s23+$0xE470]  }
0x12d: {  	v4 =	vld [tilespmem:s23+$0xC000]  }
0x12e: {  	v5 =	vld [tilespmem:s23+$0x10470]  }
0x12f: {  	v6 =	vld [tilespmem:s23+$0xA010]  }
0x130: {  	v7 =	vld [tilespmem:s23+$0xC010]  }
0x131: {  	v8 =	vld [tilespmem:s23+$0xC020]  }
0x132: {  	v9 =	vld [tilespmem:s23+$0xC030]  }
0x133: {  	v10 =	vld [tilespmem:s23+$0xC040]  }
0x134: {  	v11 =	vld [tilespmem:s23+$0xA050]  }
0x135: {  	v12 =	vld [tilespmem:s23+$0xC050]  }
0x136: {  	v13 =	vld [tilespmem:s23+$0xC060]  }
0x137: {  	v14 =	vld [tilespmem:s23+$0xA070]  }
0x138: {  	v15 =	vld [tilespmem:s23+$0xC070]  }
0x139: {  	v16 =	vld [tilespmem:s23+$0xA400]  }
0x13a: {  	v17 =	vld [tilespmem:s23+$0xC400]  }
0x13b: {  	v18 =	vld [tilespmem:s23+$0xA410]  }
0x13c: {  	v19 =	vld [tilespmem:s23+$0xC410]  }
0x13d: {  	v20 =	vld [tilespmem:s23+$0xA420]  }
0x13e: {  	v21 =	vld [tilespmem:s23+$0xC420]  }
0x13f: {  	v22 =	vld [tilespmem:s23+$0xA430]  }
0x140: {  	v23 =	vld [tilespmem:s23+$0xC430]  }
0x141: {  	v24 =	vld [tilespmem:s23+$0xA440]  }
0x142: {  	v63 =	vld [tilespmem:s23+$0xC440]  }
0x143: {  	v26 =	vld [tilespmem:s23+$0xA450]  }
0x144: {  	v27 =	vld [tilespmem:s23+$0xC450]  }
0x145: {  	v28 =	vld [tilespmem:s23+$0xA460]  }
0x146: {  	v29 =	vld [tilespmem:s23+$0xC460]  }
0x147: {  	v30 =	vld [tilespmem:s23+$0xE000]  }
0x148: {  	v31 =	vld [tilespmem:s23+$0xE010]  }
0x149: {  	v32 =	vld [tilespmem:s23+$0xE020]  }
0x14a: {  	v56 =	vld [tilespmem:s23+$0xE030]  }
0x14b: {  	v57 =	vld [tilespmem:s23+$0xE040]  }
0x14c: {  	v58 =	vld [tilespmem:s23+$0xE050]  }
0x14d: {  	v59 =	vld [tilespmem:s23+$0xE060]  }
0x14e: {  	v37 =	vld [tilespmem:s23+$0xE070]  }
0x14f: {  	v38 =	vld [tilespmem:s23+$0xE400]  }
0x150: {  	v39 =	vld [tilespmem:s23+$0xE410]  }
0x151: {  	v40 =	vld [tilespmem:s23+$0xE420]  }
0x152: {  	v41 =	vld [tilespmem:s23+$0xE430]  }
0x153: {  	v42 =	vld [tilespmem:s23+$0xE440]  }
0x154: {  	v43 =	vld [tilespmem:s23+$0xE450]  }
0x155: {  	v44 =	vld [tilespmem:s23+$0xE460]  }
0x156: {  	v60 =	vld [tilespmem:s23+$0x10000]  }
0x157: {  	v61 =	vld [tilespmem:s23+$0x10010]  }
0x158: {  	v62 =	vld [tilespmem:s23+$0x10020]  }
0x159: {  	v48 =	vld [tilespmem:s23+$0x10030]  }
0x15a: {  	v54 =	vld [tilespmem:s23+$0x12000];
	v0 =	vadd.f32 v1, v0  }
0x15b: {  	v55 =	vld [tilespmem:s23+$0x12010];
	v2 =	vadd.f32 v4, v2  }
0x15c: {  	v1 =	vld [tilespmem:s23+$0x12470];
	v6 =	vadd.f32 v7, v6;
	v0 =	vadd.f32 v3, v0  }
0x15d: {  	v3 =	vld [tilespmem:s23+$0xA020];
	v2 =	vadd.f32 v30, v2  }
0x15e: {  	v6 =	vadd.f32 v31, v6;
	v0 =	vadd.f32 v5, v0;
	v5 =	vld [tilespmem:s23+$0xA030]  }
0x15f: {  	v49 =	vld [tilespmem:s23+$0x10040];
	v63 =	vadd.f32 v63, v24;
	v2 =	vadd.f32 v60, v2  }
0x160: {  	v50 =	vld [tilespmem:s23+$0x10050];
	v53 =	vadd.f32 v29, v28;
	v6 =	vadd.f32 v61, v6  }
0x161: {  	v51 =	vld [tilespmem:s23+$0x10060];
	v0 =	vadd.f32 v1, v0;
	v2 =	vadd.f32 v54, v2  }
0x162: {  	v52 =	vld [tilespmem:s23+$0x10070];
	v6 =	vadd.f32 v55, v6;
	v3 =	vadd.f32 v8, v3  }
0x163: {  	v1 =	vld [tilespmem:s23+$0xA040];
	v5 =	vadd.f32 v9, v5;
	v9 =	vadd.f32 v12, v11  }
0x164: {  	v4 =	vld [tilespmem:s23+$0x10400];
	v11 =	vadd.f32 v15, v14;
	v12 =	vadd.f32 v17, v16  }
0x165: {  	v7 =	vld [tilespmem:s23+$0x10410];
	v14 =	vadd.f32 v19, v18;
	v15 =	vadd.f32 v21, v20  }
0x166: {  	v60 =	vld [tilespmem:s23+$0x12060];
	v0 =	vmul.f32 $2.000000030e-01, v0;
	v17 =	vadd.f32 v23, v22;
	v20 =	vadd.f32 v27, v26  }
0x167: {  	v61 =	vld [tilespmem:s23+$0x12070];
	v3 =	vadd.f32 v32, v3;
	v18 =	vadd.f32 v42, v63  }
0x168: {  	v21 =	vadd.f32 v44, v53;
	[tilespmem:s23+$0x16470] =	vst v0;
	v0 =	vld [tilespmem:s23+$0xA060];
	v1 =	vadd.f32 v10, v1  }
0x169: {  	v8 =	vld [tilespmem:s23+$0x10420];
	v5 =	vadd.f32 v56, v5;
	v9 =	vadd.f32 v58, v9  }
0x16a: {  	v56 =	vld [tilespmem:s23+$0x12020];
	v11 =	vadd.f32 v37, v11;
	v12 =	vadd.f32 v38, v12  }
0x16b: {  	v58 =	vld [tilespmem:s23+$0x12040];
	v3 =	vadd.f32 v62, v3;
	v14 =	vadd.f32 v39, v14  }
0x16c: {  	v15 =	vadd.f32 v40, v15;
	v1 =	vadd.f32 v57, v1;
	v57 =	vld [tilespmem:s23+$0x12030]  }
0x16d: {  	v16 =	vld [tilespmem:s23+$0x10450];
	v17 =	vadd.f32 v41, v17;
	v0 =	vadd.f32 v13, v0  }
0x16e: {  	v2 =	vmul.f32 $2.000000030e-01, v2;
	v19 =	vld [tilespmem:s23+$0x10460];
	v20 =	vadd.f32 v43, v20;
	v5 =	vadd.f32 v48, v5  }
0x16f: {  	v1 =	vadd.f32 v49, v1;
	v0 =	vadd.f32 v59, v0;
	v59 =	vld [tilespmem:s23+$0x12050]  }
0x170: {  	[tilespmem:s23+$0x16000] =	vst v2;
	v2 =	vmul.f32 $2.000000030e-01, v6;
	v10 =	vld [tilespmem:s23+$0x10430];
	v14 =	vadd.f32 v7, v14;
	v3 =	vadd.f32 v56, v3  }
0x171: {  	v62 =	vld [tilespmem:s23+$0x12400];
	v1 =	vadd.f32 v58, v1;
	v6 =	vadd.f32 v57, v5  }
0x172: {  	[tilespmem:s23+$0x16010] =	vst v2;
	v13 =	vld [tilespmem:s23+$0x10440];
	v2 =	vmul.f32 $2.000000030e-01, v3;
	v3 =	vadd.f32 v50, v9;
	v9 =	vadd.f32 v52, v11  }
0x173: {  	v63 =	vld [tilespmem:s23+$0x12410];
	v11 =	vadd.f32 v4, v12;
	v0 =	vadd.f32 v51, v0  }
0x174: {  	v5 =	vld [tilespmem:s23+$0x12420];
	v4 =	vadd.f32 v8, v15;
	v1 =	vmul.f32 $2.000000030e-01, v1;
	v12 =	vadd.f32 v59, v3  }
0x175: {  	[tilespmem:s23+$0x16020] =	vst v2;
	v2 =	vmul.f32 $2.000000030e-01, v6;
	v6 =	vld [tilespmem:s23+$0x12430];
	v3 =	vadd.f32 v10, v17;
	v10 =	vadd.f32 v60, v0  }
0x176: {  	s30 =	simm.s32 $0x100;
	s25 =	simm.s32 $0x80;
	v7 =	vld [tilespmem:s23+$0x12440];
	v9 =	vadd.f32 v61, v9;
	v11 =	vadd.f32 v62, v11;
	[tilespmem:s23+$0x16040] =	vst v1;
	v12 =	vmul.f32 $2.000000030e-01, v12  }
0x177: {  	s31 =	sand.u32 $0x1800, s30;
	s28 =	sand.u32 $0x380, s25;
	v8 =	vld [tilespmem:s23+$0x12450];
	v1 =	vadd.f32 v16, v20;
	[tilespmem:s23+$0x16030] =	vst v2;
	v2 =	vadd.f32 v13, v18;
	v10 =	vmul.f32 $2.000000030e-01, v10  }
0x178: {  	s26 =	simm.s32 $0x200;
	s28 =	sor.u32 s28, s31;
	s24 =	sor.u32 $0x1, s22;
	v0 =	vadd.f32 v19, v21;
	v13 =	vmul.f32 $2.000000030e-01, v9;
	v9 =	vld [tilespmem:s23+$0x12460];
	[tilespmem:s23+$0x16050] =	vst v12;
	v12 =	vadd.f32 v63, v14  }
.LBB2_5:
0x179: {  	p1 =	sne.s32 s26, $0x1F00;
	v14 =	vld [tilespmem:s28+$0xA470];
	[tilespmem:s23+$0x16060] =	vst v10;
	v10 =	vmul.f32 $2.000000030e-01, v11;
	v4 =	vadd.f32 v5, v4  }
0x17a: {  	v5 =	vld [tilespmem:s28+$0xC470];
	[tilespmem:s23+$0x16070] =	vst v13;
	v11 =	vmul.f32 $2.000000030e-01, v12;
	v3 =	vadd.f32 v6, v3  }
0x17b: {  	v6 =	vld [tilespmem:s28+$0xA000];
	[tilespmem:s23+$0x16400] =	vst v10;
	v4 =	vmul.f32 $2.000000030e-01, v4;
	v2 =	vadd.f32 v7, v2  }
0x17c: {  	v7 =	vld [tilespmem:s28+$0xE470];
	[tilespmem:s23+$0x16410] =	vst v11;
	v3 =	vmul.f32 $2.000000030e-01, v3;
	v1 =	vadd.f32 v8, v1  }
0x17d: {  	v8 =	vld [tilespmem:s28+$0xC000];
	[tilespmem:s23+$0x16420] =	vst v4;
	v2 =	vmul.f32 $2.000000030e-01, v2;
	v0 =	vadd.f32 v9, v0  }
0x17e: {  	v4 =	vld [tilespmem:s28+$0x10470];
	[tilespmem:s23+$0x16430] =	vst v3;
	v1 =	vmul.f32 $2.000000030e-01, v1  }
0x17f: {  	v3 =	vld [tilespmem:s28+$0xA010];
	v5 =	vadd.f32 v5, v14;
	[tilespmem:s23+$0x16440] =	vst v2;
	v0 =	vmul.f32 $2.000000030e-01, v0  }
0x180: {  	v2 =	vld [tilespmem:s28+$0x12470];
	[tilespmem:s23+$0x16450] =	vst v1  }
0x181: {  	v1 =	vld [tilespmem:s28+$0xC010];
	v5 =	vadd.f32 v7, v5;
	[tilespmem:s23+$0x16460] =	vst v0;
	s23 =	smov.u32 s28  }
0x182: {  	v0 =	vadd.f32 v8, v6;
	v6 =	vld [tilespmem:s23+$0xA020]  }
0x183: {  	v7 =	vld [tilespmem:s23+$0xC020];
	v4 =	vadd.f32 v4, v5  }
0x184: {  	v5 =	vld [tilespmem:s23+$0xA030]  }
0x185: {  	v8 =	vld [tilespmem:s23+$0xC030];
	v2 =	vadd.f32 v2, v4  }
0x186: {  	v1 =	vadd.f32 v1, v3;
	v3 =	vld [tilespmem:s23+$0xA040]  }
0x187: {  	v4 =	vld [tilespmem:s23+$0xC040];
	v2 =	vmul.f32 $2.000000030e-01, v2  }
0x188: {  	v6 =	vadd.f32 v7, v6;
	v7 =	vld [tilespmem:s23+$0xA050]  }
0x189: {  	v9 =	vld [tilespmem:s23+$0xC050];
	[tilespmem:s23+$0x16470] =	vst v2  }
0x18a: {  	v2 =	vadd.f32 v8, v5;
	v5 =	vld [tilespmem:s23+$0xA060]  }
0x18b: {  	v8 =	vld [tilespmem:s23+$0xC060]  }
0x18c: {  	v3 =	vadd.f32 v4, v3;
	v4 =	vld [tilespmem:s23+$0xA070]  }
0x18d: {  	v10 =	vld [tilespmem:s23+$0xC070]  }
0x18e: {  	v7 =	vadd.f32 v9, v7;
	v9 =	vld [tilespmem:s23+$0xA400]  }
0x18f: {  	v11 =	vld [tilespmem:s23+$0xC400]  }
0x190: {  	v5 =	vadd.f32 v8, v5;
	v8 =	vld [tilespmem:s23+$0xA410]  }
0x191: {  	v12 =	vld [tilespmem:s23+$0xC410]  }
0x192: {  	v4 =	vadd.f32 v10, v4;
	v10 =	vld [tilespmem:s23+$0xA420]  }
0x193: {  	v13 =	vld [tilespmem:s23+$0xC420]  }
0x194: {  	v9 =	vadd.f32 v11, v9;
	v11 =	vld [tilespmem:s23+$0xA430]  }
0x195: {  	v14 =	vld [tilespmem:s23+$0xC430]  }
0x196: {  	v8 =	vadd.f32 v12, v8;
	v12 =	vld [tilespmem:s23+$0xA440]  }
0x197: {  	v15 =	vld [tilespmem:s23+$0xC440]  }
0x198: {  	v10 =	vadd.f32 v13, v10;
	v13 =	vld [tilespmem:s23+$0xA450]  }
0x199: {  	v16 =	vld [tilespmem:s23+$0xC450]  }
0x19a: {  	v11 =	vadd.f32 v14, v11;
	v14 =	vld [tilespmem:s23+$0xA460]  }
0x19b: {  	v17 =	vld [tilespmem:s23+$0xC460]  }
0x19c: {  	v18 =	vld [tilespmem:s23+$0xE000];
	v12 =	vadd.f32 v15, v12  }
0x19d: {  	v15 =	vld [tilespmem:s23+$0xE010]  }
0x19e: {  	v19 =	vld [tilespmem:s23+$0xE020];
	v13 =	vadd.f32 v16, v13  }
0x19f: {  	v16 =	vld [tilespmem:s23+$0xE030]  }
0x1a0: {  	v20 =	vld [tilespmem:s23+$0xE040];
	v14 =	vadd.f32 v17, v14  }
0x1a1: {  	v0 =	vadd.f32 v18, v0;
	v17 =	vld [tilespmem:s23+$0xE050]  }
0x1a2: {  	v1 =	vadd.f32 v15, v1;
	v15 =	vld [tilespmem:s23+$0xE060]  }
0x1a3: {  	v6 =	vadd.f32 v19, v6;
	v18 =	vld [tilespmem:s23+$0xE070]  }
0x1a4: {  	v2 =	vadd.f32 v16, v2;
	v16 =	vld [tilespmem:s23+$0xE400]  }
0x1a5: {  	v3 =	vadd.f32 v20, v3;
	v19 =	vld [tilespmem:s23+$0xE410]  }
0x1a6: {  	v7 =	vadd.f32 v17, v7;
	v17 =	vld [tilespmem:s23+$0xE420]  }
0x1a7: {  	v5 =	vadd.f32 v15, v5;
	v15 =	vld [tilespmem:s23+$0xE430]  }
0x1a8: {  	v4 =	vadd.f32 v18, v4;
	v18 =	vld [tilespmem:s23+$0xE440]  }
0x1a9: {  	v9 =	vadd.f32 v16, v9;
	v16 =	vld [tilespmem:s23+$0xE450]  }
0x1aa: {  	v8 =	vadd.f32 v19, v8;
	v19 =	vld [tilespmem:s23+$0xE460]  }
0x1ab: {  	v20 =	vld [tilespmem:s23+$0x10000];
	v10 =	vadd.f32 v17, v10  }
0x1ac: {  	v17 =	vld [tilespmem:s23+$0x10010];
	v11 =	vadd.f32 v15, v11  }
0x1ad: {  	v15 =	vld [tilespmem:s23+$0x10020];
	v12 =	vadd.f32 v18, v12  }
0x1ae: {  	v18 =	vld [tilespmem:s23+$0x10030];
	v13 =	vadd.f32 v16, v13  }
0x1af: {  	v16 =	vld [tilespmem:s23+$0x10040];
	v14 =	vadd.f32 v19, v14  }
0x1b0: {  	v19 =	vadd.f32 v20, v0;
	v0 =	vld [tilespmem:s23+$0x10050]  }
0x1b1: {  	v17 =	vadd.f32 v17, v1;
	v1 =	vld [tilespmem:s23+$0x10060]  }
0x1b2: {  	v6 =	vadd.f32 v15, v6;
	v15 =	vld [tilespmem:s23+$0x10070]  }
0x1b3: {  	v18 =	vadd.f32 v18, v2;
	v2 =	vld [tilespmem:s23+$0x10400]  }
0x1b4: {  	v16 =	vadd.f32 v16, v3;
	v3 =	vld [tilespmem:s23+$0x10410]  }
0x1b5: {  	v7 =	vadd.f32 v0, v7;
	v0 =	vld [tilespmem:s23+$0x10420]  }
0x1b6: {  	v20 =	vadd.f32 v1, v5;
	v1 =	vld [tilespmem:s23+$0x10430]  }
0x1b7: {  	v15 =	vadd.f32 v15, v4;
	v5 =	vld [tilespmem:s23+$0x10440]  }
0x1b8: {  	v9 =	vadd.f32 v2, v9;
	v21 =	vld [tilespmem:s23+$0x10450]  }
0x1b9: {  	v22 =	vadd.f32 v3, v8;
	v8 =	vld [tilespmem:s23+$0x10460]  }
0x1ba: {  	v23 =	vld [tilespmem:s23+$0x12000];
	v4 =	vadd.f32 v0, v10  }
0x1bb: {  	v10 =	vld [tilespmem:s23+$0x12010];
	v3 =	vadd.f32 v1, v11  }
0x1bc: {  	v11 =	vld [tilespmem:s23+$0x12020];
	v2 =	vadd.f32 v5, v12  }
0x1bd: {  	v5 =	vld [tilespmem:s23+$0x12030];
	v1 =	vadd.f32 v21, v13  }
0x1be: {  	v12 =	vld [tilespmem:s23+$0x12040];
	v0 =	vadd.f32 v8, v14  }
0x1bf: {  	v8 =	vadd.f32 v23, v19;
	v13 =	vld [tilespmem:s23+$0x12050]  }
0x1c0: {  	v10 =	vadd.f32 v10, v17;
	v14 =	vld [tilespmem:s23+$0x12060]  }
0x1c1: {  	v8 =	vmul.f32 $2.000000030e-01, v8;
	v6 =	vadd.f32 v11, v6;
	v11 =	vld [tilespmem:s23+$0x12070]  }
0x1c2: {  	v10 =	vmul.f32 $2.000000030e-01, v10;
	v5 =	vadd.f32 v5, v18;
	v17 =	vld [tilespmem:s23+$0x12400]  }
0x1c3: {  	[tilespmem:s23+$0x16000] =	vst v8;
	v6 =	vmul.f32 $2.000000030e-01, v6;
	v8 =	vadd.f32 v12, v16;
	v12 =	vld [tilespmem:s23+$0x12410]  }
.Ltmp3:
0x1c4: {  	[tilespmem:s23+$0x16010] =	vst v10;
	v10 =	vmul.f32 $2.000000030e-01, v5;
	v7 =	vadd.f32 v13, v7;
	v5 =	vld [tilespmem:s23+$0x12420];
	(pc) =	sbr.rel @p1 .LBB2_5-.Ltmp3, $4  }
0x1c5: {  	[tilespmem:s23+$0x16020] =	vst v6;
	v8 =	vmul.f32 $2.000000030e-01, v8;
	v13 =	vadd.f32 v14, v20;
	v6 =	vld [tilespmem:s23+$0x12430]  }
0x1c6: {  	s25 =	sadd.s32 $0x80, s25;
	[tilespmem:s23+$0x16030] =	vst v10;
	v14 =	vmul.f32 $2.000000030e-01, v7;
	v15 =	vadd.f32 v11, v15;
	v7 =	vld [tilespmem:s23+$0x12440]  }
0x1c7: {  	s29 =	sand.u32 $0x380, s25;
	s28 =	sand.u32 $0x1800, s26;
	[tilespmem:s23+$0x16040] =	vst v8;
	v10 =	vmul.f32 $2.000000030e-01, v13;
	v11 =	vadd.f32 v17, v9;
	v8 =	vld [tilespmem:s23+$0x12450]  }
0x1c8: {  	s26 =	sadd.s32 $0x100, s26;
	s28 =	sor.u32 s29, s28;
	[tilespmem:s23+$0x16050] =	vst v14;
	v13 =	vmul.f32 $2.000000030e-01, v15;
	v12 =	vadd.f32 v12, v22;
	v9 =	vld [tilespmem:s23+$0x12460]  }
0x1c9: {  	v14 =	vld [tilespmem:s28+$0xA470];
	[tilespmem:s23+$0x16060] =	vst v10;
	v11 =	vmul.f32 $2.000000030e-01, v11;
	v4 =	vadd.f32 v5, v4  }
0x1ca: {  	v10 =	vld [tilespmem:s28+$0xC470];
	[tilespmem:s23+$0x16070] =	vst v13;
	v54 =	vmul.f32 $2.000000030e-01, v12;
	v3 =	vadd.f32 v6, v3  }
0x1cb: {  	v13 =	vld [tilespmem:s28+$0xA000];
	[tilespmem:s23+$0x16400] =	vst v11;
	v4 =	vmul.f32 $2.000000030e-01, v4;
	v2 =	vadd.f32 v7, v2  }
0x1cc: {  	v11 =	vld [tilespmem:s28+$0xE470];
	[tilespmem:s23+$0x16410] =	vst v54;
	v3 =	vmul.f32 $2.000000030e-01, v3;
	v1 =	vadd.f32 v8, v1  }
0x1cd: {  	v5 =	vld [tilespmem:s28+$0xC000];
	[tilespmem:s23+$0x16420] =	vst v4;
	v2 =	vmul.f32 $2.000000030e-01, v2;
	v0 =	vadd.f32 v9, v0  }
0x1ce: {  	v4 =	vld [tilespmem:s28+$0x10470];
	[tilespmem:s23+$0x16430] =	vst v3;
	v1 =	vmul.f32 $2.000000030e-01, v1  }
0x1cf: {  	v3 =	vld [tilespmem:s28+$0xA010];
	[tilespmem:s23+$0x16440] =	vst v2;
	v0 =	vmul.f32 $2.000000030e-01, v0  }
0x1d0: {  	v2 =	vld [tilespmem:s28+$0x12470];
	[tilespmem:s23+$0x16450] =	vst v1  }
0x1d1: {  	v6 =	vld [tilespmem:s28+$0xC010];
	[tilespmem:s23+$0x16460] =	vst v0  }
0x1d2: {  	v1 =	vld [tilespmem:s28+$0xA020]  }
0x1d3: {  	v7 =	vld [tilespmem:s28+$0xC020]  }
0x1d4: {  	v8 =	vld [tilespmem:s28+$0xC030]  }
0x1d5: {  	v57 =	vld [tilespmem:s28+$0xA040]  }
0x1d6: {  	v58 =	vld [tilespmem:s28+$0xC040]  }
0x1d7: {  	v59 =	vld [tilespmem:s28+$0xA050]  }
0x1d8: {  	v60 =	vld [tilespmem:s28+$0xC050]  }
0x1d9: {  	v61 =	vld [tilespmem:s28+$0xA060]  }
0x1da: {  	v62 =	vld [tilespmem:s28+$0xC060]  }
0x1db: {  	v63 =	vld [tilespmem:s28+$0xA070]  }
0x1dc: {  	v15 =	vld [tilespmem:s28+$0xC070]  }
0x1dd: {  	v16 =	vld [tilespmem:s28+$0xA400]  }
0x1de: {  	v17 =	vld [tilespmem:s28+$0xC400]  }
0x1df: {  	v18 =	vld [tilespmem:s28+$0xA410]  }
0x1e0: {  	v19 =	vld [tilespmem:s28+$0xC410]  }
0x1e1: {  	v20 =	vld [tilespmem:s28+$0xA420]  }
0x1e2: {  	v21 =	vld [tilespmem:s28+$0xC420]  }
0x1e3: {  	v22 =	vld [tilespmem:s28+$0xA430]  }
0x1e4: {  	v23 =	vld [tilespmem:s28+$0xC430]  }
0x1e5: {  	v24 =	vld [tilespmem:s28+$0xA440]  }
0x1e6: {  	v25 =	vld [tilespmem:s28+$0xC440]  }
0x1e7: {  	v26 =	vld [tilespmem:s28+$0xA450]  }
0x1e8: {  	v27 =	vld [tilespmem:s28+$0xC450]  }
0x1e9: {  	v28 =	vld [tilespmem:s28+$0xA460]  }
0x1ea: {  	v29 =	vld [tilespmem:s28+$0xC460]  }
0x1eb: {  	v30 =	vld [tilespmem:s28+$0xE000]  }
0x1ec: {  	v31 =	vld [tilespmem:s28+$0xE010]  }
0x1ed: {  	v32 =	vld [tilespmem:s28+$0xE020]  }
0x1ee: {  	v33 =	vld [tilespmem:s28+$0xE030]  }
0x1ef: {  	v34 =	vld [tilespmem:s28+$0xE040]  }
0x1f0: {  	v35 =	vld [tilespmem:s28+$0xE050]  }
0x1f1: {  	v36 =	vld [tilespmem:s28+$0xE060]  }
0x1f2: {  	v37 =	vld [tilespmem:s28+$0xE070]  }
0x1f3: {  	v38 =	vld [tilespmem:s28+$0xE400]  }
0x1f4: {  	v39 =	vld [tilespmem:s28+$0xE410]  }
0x1f5: {  	v40 =	vld [tilespmem:s28+$0xE420]  }
0x1f6: {  	v41 =	vld [tilespmem:s28+$0xE430]  }
0x1f7: {  	v42 =	vld [tilespmem:s28+$0xE440]  }
0x1f8: {  	v43 =	vld [tilespmem:s28+$0xE450]  }
0x1f9: {  	v55 =	vadd.f32 v10, v14;
	v44 =	vld [tilespmem:s28+$0xE460]  }
0x1fa: {  	v45 =	vld [tilespmem:s28+$0x10000]  }
0x1fb: {  	v56 =	vadd.f32 v11, v55;
	v46 =	vld [tilespmem:s28+$0x10010]  }
0x1fc: {  	v47 =	vld [tilespmem:s28+$0x10020]  }
0x1fd: {  	v48 =	vld [tilespmem:s28+$0x10030];
	v0 =	vadd.f32 v4, v56  }
0x1fe: {  	v49 =	vld [tilespmem:s28+$0x10040];
	v5 =	vadd.f32 v5, v13  }
0x1ff: {  	v4 =	vld [tilespmem:s28+$0xA030];
	v0 =	vadd.f32 v2, v0;
	v3 =	vadd.f32 v6, v3  }
0x200: {  	v50 =	vld [tilespmem:s28+$0x10050];
	v1 =	vadd.f32 v7, v1;
	v2 =	vadd.f32 v58, v57  }
0x201: {  	v51 =	vld [tilespmem:s28+$0x10060];
	v10 =	vadd.f32 v15, v63;
	v12 =	vadd.f32 v17, v16  }
0x202: {  	v52 =	vld [tilespmem:s28+$0x10070];
	v55 =	vadd.f32 v19, v18;
	v56 =	vadd.f32 v21, v20  }
0x203: {  	v53 =	vld [tilespmem:s28+$0x10400];
	v57 =	vadd.f32 v23, v22;
	v5 =	vadd.f32 v30, v5  }
0x204: {  	v54 =	vld [tilespmem:s28+$0x10410];
	v0 =	vmul.f32 $2.000000030e-01, v0;
	v4 =	vadd.f32 v8, v4;
	v8 =	vadd.f32 v60, v59  }
0x205: {  	v9 =	vld [tilespmem:s28+$0x10440];
	v59 =	vadd.f32 v25, v24;
	v3 =	vadd.f32 v31, v3  }
0x206: {  	v11 =	vld [tilespmem:s28+$0x10450];
	[tilespmem:s28+$0x16470] =	vst v0;
	v0 =	vadd.f32 v62, v61;
	v61 =	vadd.f32 v27, v26  }
0x207: {  	v14 =	vld [tilespmem:s28+$0x10460];
	v62 =	vadd.f32 v29, v28;
	v5 =	vadd.f32 v45, v5  }
0x208: {  	v6 =	vld [tilespmem:s28+$0x10420];
	v1 =	vadd.f32 v32, v1;
	v2 =	vadd.f32 v34, v2  }
0x209: {  	v7 =	vld [tilespmem:s28+$0x10430];
	v10 =	vadd.f32 v37, v10;
	v34 =	vadd.f32 v38, v12  }
0x20a: {  	v58 =	vld [tilespmem:s28+$0x12000];
	v37 =	vadd.f32 v40, v56;
	v38 =	vadd.f32 v41, v57  }
0x20b: {  	v60 =	vld [tilespmem:s28+$0x12010];
	v4 =	vadd.f32 v33, v4;
	v3 =	vadd.f32 v46, v3  }
0x20c: {  	v63 =	vld [tilespmem:s28+$0x12020];
	v8 =	vadd.f32 v35, v8;
	v35 =	vadd.f32 v39, v55  }
0x20d: {  	v28 =	vld [tilespmem:s28+$0x12030];
	v41 =	vadd.f32 v42, v59;
	v1 =	vadd.f32 v47, v1  }
0x20e: {  	v29 =	vld [tilespmem:s28+$0x12040];
	v0 =	vadd.f32 v36, v0;
	v2 =	vadd.f32 v49, v2  }
0x20f: {  	v30 =	vld [tilespmem:s28+$0x12050];
	v42 =	vadd.f32 v43, v61;
	v5 =	vadd.f32 v58, v5  }
0x210: {  	v32 =	vld [tilespmem:s28+$0x12070];
	v4 =	vadd.f32 v48, v4;
	v3 =	vadd.f32 v60, v3  }
0x211: {  	v31 =	vld [tilespmem:s28+$0x12060];
	v10 =	vadd.f32 v52, v10;
	v1 =	vadd.f32 v63, v1;
	v5 =	vmul.f32 $2.000000030e-01, v5  }
0x212: {  	v36 =	vld [tilespmem:s28+$0x12410];
	v8 =	vadd.f32 v50, v8;
	v4 =	vadd.f32 v28, v4;
	v3 =	vmul.f32 $2.000000030e-01, v3  }
0x213: {  	v43 =	vld [tilespmem:s28+$0x12430];
	v49 =	vadd.f32 v54, v35;
	v2 =	vadd.f32 v29, v2;
	v1 =	vmul.f32 $2.000000030e-01, v1;
	[tilespmem:s28+$0x16000] =	vst v5  }
0x214: {  	v50 =	vld [tilespmem:s28+$0x12450];
	v0 =	vadd.f32 v51, v0;
	v8 =	vadd.f32 v30, v8;
	v40 =	vmul.f32 $2.000000030e-01, v4;
	[tilespmem:s28+$0x16010] =	vst v3  }
0x215: {  	v33 =	vld [tilespmem:s28+$0x12400];
	v51 =	vadd.f32 v7, v38;
	v10 =	vadd.f32 v32, v10;
	v45 =	vmul.f32 $2.000000030e-01, v2;
	[tilespmem:s28+$0x16020] =	vst v1  }
0x216: {  	v47 =	vld [tilespmem:s28+$0x12440];
	v56 =	vadd.f32 v11, v42;
	v0 =	vadd.f32 v31, v0;
	v48 =	vmul.f32 $2.000000030e-01, v8;
	[tilespmem:s28+$0x16030] =	vst v40  }
0x217: {  	v54 =	vld [tilespmem:s28+$0x12460];
	v5 =	vadd.f32 v53, v34;
	v52 =	vmul.f32 $2.000000030e-01, v10;
	v53 =	vadd.f32 v36, v49;
	[tilespmem:s28+$0x16040] =	vst v45  }
0x218: {  	v39 =	vld [tilespmem:s28+$0x12420];
	v46 =	vadd.f32 v44, v62;
	v0 =	vmul.f32 $2.000000030e-01, v0;
	v1 =	vadd.f32 v43, v51;
	[tilespmem:s28+$0x16050] =	vst v48  }
0x219: {  	s31 =	sadd.s32 s1, s24;
	v4 =	vadd.f32 v9, v41;
	v60 =	vadd.f32 v50, v56;
	[tilespmem:s28+$0x16070] =	vst v52;
	v57 =	vmul.f32 $2.000000030e-01, v53  }
0x21a: {  	s24 =	smulhi.u32 $0x66666667, s31;
	v2 =	vadd.f32 v14, v46;
	v5 =	vadd.f32 v33, v5;
	[tilespmem:s28+$0x16060] =	vst v0;
	v1 =	vmul.f32 $2.000000030e-01, v1  }
0x21b: {  	v3 =	vadd.f32 v6, v37;
	v59 =	vadd.f32 v47, v4;
	v62 =	vmul.f32 $2.000000030e-01, v60;
	[tilespmem:s28+$0x16410] =	vst v57  }
0x21c: {  	s24 =	sshrl.u32 s24, $0x3;
	v2 =	vadd.f32 v54, v2;
	v55 =	vmul.f32 $2.000000030e-01, v5;
	[tilespmem:s28+$0x16430] =	vst v1  }
0x21d: {  	s25 =	smul.u32 $0x14, s24;
	v3 =	vadd.f32 v39, v3;
	v61 =	vmul.f32 $2.000000030e-01, v59;
	[tilespmem:s28+$0x16450] =	vst v62  }
.Ltmp4:
0x21e: {  	v63 =	vmul.f32 $2.000000030e-01, v2;
	[tilespmem:s28+$0x16400] =	vst v55;
	(pc) =	sbr.rel @p0 .LBB2_8-.Ltmp4, $4  }
0x21f: {  	s24 =	sshll.u32 s24, $0x8;
	s23 =	ssub.s32 s31, s25;
	v58 =	vmul.f32 $2.000000030e-01, v3;
	[tilespmem:s28+$0x16440] =	vst v61  }
0x220: {  	s24 =	sadd.s32 s4, s24;
	s23 =	sshll.u32 s23, $0x10;
	[tilespmem:s28+$0x16460] =	vst v63  }
0x221: {  	s23 =	sadd.s32 s23, s24;
	[tilespmem:s28+$0x16420] =	vst v58  }
0x222: {  	[hbm4b:s23+s11] =	stream.strided.scatter [tilespmem:s17], [sflag:$0x4], $0x2000, s12, s11, $0x38;
	[tilespmem:$0x18000] =	vst v63  }
0x223: {  	s22 =	sadd.s32 s22, s9  }
0x224: {  	s23 =	smulhi.u32 $0x66666667, s22;
	_ =	sdelay $0x1  }
0x225: {  	s23 =	sshrl.u32 s23, $0x3  }
0x226: {  	s24 =	smul.u32 $0x14, s23;
	_ =	sdelay $0x1  }
0x227: {  	s22 =	ssub.s32 s22, s24  }
0x228: {  	s22 =	smul.u32 $0x280000, s22  }
.Ltmp5:
0x229: {  	s23 =	sshll.u32 s23, $0xB;
	(pc) =	sbr.rel .LBB2_2-.Ltmp5, $4  }
0x22a: {  	s22 =	sadd.s32 s23, s22  }
0x22b: {  	s22 =	sshrl.u32 s22, $0x3  }
0x22c: {  	s21 =	sadd.s32 $0x1, s21;
	s22 =	sadd.s32 s3, s22  }
0x22d: {  	[tilespmem:s13], [sflag:$0x2] =	stream.strided.gather [hbm4b:s22+s11], $0xA000, s12, s11, $0x38;
	[tilespmem:$0x18000] =	vst v63  }
.LBB2_9:
0x22e: {  	_ =	sfence.sel $0x180000  }
0x22f: {  	[bflag:$0x0] =	sbarrier.arrive $0xFFFF  }
0x230: {  	p0 =	sne.s32 s0, $0x0;
	_ =	strace $0x90000047  }
0x231: {  	s0 =	sadd.s32 @!p0 $0x100000, s2;
	[bflag:$0x2] =	sbarrier.arrive $0xFFFF  }
0x232: {  	[sflag:s0] =	ssyncadd.tile.s32 @!p0 $0x1;
	_ =	shalt  }
.Lfunc_end2:
_tile_overlayer_lowered:
.L_overlay_start_2:
0x233: {  	(tag) =	ssettag $0x2  }
0x234: {  	s0 =	rddreg [dreg:$0x0];
	s2 =	stileid.u32  }
0x235: {  	s1 =	rddreg [dreg:$0x1];
	p0 =	sne.s32 s2, $0x0  }
0x236: {  	s3 =	rddreg [dreg:$0x2];
	[bflag:$0x3] =	sbarrier.arrive $0xFFFF;
	s2 =	simm.s32 @!p0 $0x1C05  }
0x237: {  	[timem:s3], [sflag:s2] =	dma.local @!p0 [hbm:s0], s1  }
0x238: {  	s0 =	simm.s32 @!p0 $0x5  }
0x239: {  	_ =	swait.ge @!p0 [sflag:s0], s1  }
0x23a: {  	s1 =	ssub.s32 @!p0 $0x0, s1;
	[sflag:s0] =	ssyncset.done @!p0 $0x0  }
0x23b: {  	[sflag:s0] =	ssyncadd.s32 @!p0 s1  }
0x23c: {  	[bflag:$0x3] =	sbarrier.arrive $0xFFFF  }
0x23d: {  	_ =	shalt  }

</sc_bundles>
